<compile_context>
chip_gen: v7x
topology: tpu7x:2x2x1
jax: 0.10.2.dev20260603
libtpu: 0.0.44.dev20260713+nightly
codegen_flags: <defaults>
</compile_context>

<pallas_src>
import functools

import jax
import jax.numpy as jnp
from jax import lax
from jax.experimental import pallas as pl
from jax.experimental.pallas import tpu as pltpu
from jax.experimental.pallas import tpu_sc as plsc

N = 10000
E = 320000
D = 128
H = 8
C = 16
CH = 128
NCHUNK = E // CH



def _mm_body(ogx_ref, wt_ref, wrt_ref, prr_ref, x_ref, res_ref, ar_ref):
    xb = jnp.dot(ogx_ref[...], wt_ref[...], preferred_element_type=jnp.float32)
    x_ref[...] = xb
    res_ref[...] = jnp.dot(ogx_ref[...], wrt_ref[...],
                           preferred_element_type=jnp.float32)
    ar_ref[...] = jnp.dot(xb, prr_ref[...], preferred_element_type=jnp.float32)


def _tc_matmuls(og_x, wt, wrt, pr_rep):
    bm = 1000
    return pl.pallas_call(
        _mm_body,
        grid=(N // bm,),
        in_specs=[
            pl.BlockSpec((bm, D), lambda i: (i, 0)),
            pl.BlockSpec((D, D), lambda i: (0, 0)),
            pl.BlockSpec((D, D), lambda i: (0, 0)),
            pl.BlockSpec((D, D), lambda i: (0, 0)),
        ],
        out_specs=[
            pl.BlockSpec((bm, D), lambda i: (i, 0)),
            pl.BlockSpec((bm, D), lambda i: (i, 0)),
            pl.BlockSpec((bm, D), lambda i: (i, 0)),
        ],
        out_shape=[
            jax.ShapeDtypeStruct((N, D), jnp.float32),
            jax.ShapeDtypeStruct((N, D), jnp.float32),
            jax.ShapeDtypeStruct((N, D), jnp.float32),
        ],
    )(og_x, wt, wrt, pr_rep)


def _edge_body(xg_ref, arg_ref, ewb_ref, plr_ref, b8_ref, e_ref, emul_ref):
    alg = jnp.dot(xg_ref[...], plr_ref[...], preferred_element_type=jnp.float32)
    ew128 = jnp.dot(ewb_ref[...], b8_ref[...],
                    preferred_element_type=jnp.float32)
    z = ew128 * (alg + arg_ref[...])
    z = jnp.where(z >= 0.0, z, 0.2 * z)
    e128 = jnp.exp(z)
    e_ref[...] = e128
    emul_ref[...] = xg_ref[...] * e128


def _tc_edge(xg, arg, ewb, pl_rep, b8):
    bm = 2000
    return pl.pallas_call(
        _edge_body,
        grid=(E // bm,),
        in_specs=[
            pl.BlockSpec((bm, D), lambda i: (i, 0)),
            pl.BlockSpec((bm, D), lambda i: (i, 0)),
            pl.BlockSpec((bm, H), lambda i: (i, 0)),
            pl.BlockSpec((D, D), lambda i: (0, 0)),
            pl.BlockSpec((H, D), lambda i: (0, 0)),
        ],
        out_specs=[
            pl.BlockSpec((bm, D), lambda i: (i, 0)),
            pl.BlockSpec((bm, D), lambda i: (i, 0)),
        ],
        out_shape=[
            jax.ShapeDtypeStruct((E, D), jnp.float32),
            jax.ShapeDtypeStruct((E, D), jnp.float32),
        ],
    )(xg, arg, ewb, pl_rep, b8)


def _final_body(np_ref, dp_ref, res_ref, o_ref):
    den = jnp.sum(dp_ref[...], axis=0) + 1e-16
    o = jnp.sum(np_ref[...], axis=0) / den
    o = jnp.where(o > 0.0, o, jnp.exp(o) - 1.0)
    o_ref[...] = o + res_ref[...]


def _tc_final(numer_parts, denom_parts, res):
    ncp = numer_parts.shape[0]
    bm = 1000
    return pl.pallas_call(
        _final_body,
        grid=(N // bm,),
        in_specs=[
            pl.BlockSpec((ncp, bm, D), lambda i: (0, i, 0)),
            pl.BlockSpec((ncp, bm, D), lambda i: (0, i, 0)),
            pl.BlockSpec((bm, D), lambda i: (i, 0)),
        ],
        out_specs=pl.BlockSpec((bm, D), lambda i: (i, 0)),
        out_shape=jax.ShapeDtypeStruct((N, D), jnp.float32),
    )(numer_parts, denom_parts, res)



def _make_sc_gather(nc, ns):
    nw = nc * ns
    nloop = -(-NCHUNK // nw)
    mesh = plsc.VectorSubcoreMesh(core_axis_name="c", subcore_axis_name="s")

    @functools.partial(
        pl.kernel,
        mesh=mesh,
        out_type=[
            jax.ShapeDtypeStruct((E, D), jnp.float32),
            jax.ShapeDtypeStruct((E, D), jnp.float32),
        ],
        scratch_types=[
            pltpu.VMEM((CH,), jnp.int32),
            pltpu.VMEM((CH,), jnp.int32),
            pltpu.VMEM((CH, D), jnp.float32),
            pltpu.VMEM((CH, D), jnp.float32),
            pltpu.SemaphoreType.DMA,
        ],
    )
    def k(x_hbm, ar_hbm, src, dst, o_xg, o_arg, src_v, dst_v, xr_v, ar_v, sem):
        wid = lax.axis_index("s") * nc + lax.axis_index("c")

        def body(i, carry):
            cid = wid + i * nw

            @pl.when(cid < NCHUNK)
            def _():
                base = cid * CH
                pltpu.sync_copy(src.at[pl.ds(base, CH)], src_v)
                pltpu.sync_copy(dst.at[pl.ds(base, CH)], dst_v)
                c1 = pltpu.async_copy(x_hbm.at[src_v], xr_v, sem)
                c2 = pltpu.async_copy(ar_hbm.at[dst_v], ar_v, sem)
                c1.wait()
                c2.wait()
                pltpu.sync_copy(xr_v, o_xg.at[pl.ds(base, CH)])
                pltpu.sync_copy(ar_v, o_arg.at[pl.ds(base, CH)])

            return carry

        lax.fori_loop(0, nloop, body, 0)

    return k


def _make_sc_scatter(nc, ns):
    nw = nc * ns
    nloop = -(-NCHUNK // nw)
    mesh = plsc.VectorSubcoreMesh(core_axis_name="c", subcore_axis_name="s")

    @functools.partial(
        pl.kernel,
        mesh=mesh,
        out_type=[
            jax.ShapeDtypeStruct((nc, N, D), jnp.float32),
            jax.ShapeDtypeStruct((nc, N, D), jnp.float32),
        ],
        scratch_types=[
            pltpu.VMEM_SHARED((N, D), jnp.float32),
            pltpu.VMEM((CH,), jnp.int32),
            pltpu.VMEM((CH, D), jnp.float32),
        ],
    )
    def k(emul, e128, dst, zero_nd, o_num, o_den, shared, dst_v, val_v):
        cidx = lax.axis_index("c")
        sidx = lax.axis_index("s")
        wid = sidx * nc + cidx

        def scatter_phase(vals_hbm, out_hbm):
            @pl.when(sidx == 0)
            def _():
                pltpu.sync_copy(zero_nd, shared)

            plsc.subcore_barrier()

            def body(i, carry):
                cid = wid + i * nw

                @pl.when(cid < NCHUNK)
                def _():
                    base = cid * CH
                    pltpu.sync_copy(dst.at[pl.ds(base, CH)], dst_v)
                    pltpu.sync_copy(vals_hbm.at[pl.ds(base, CH)], val_v)
                    pltpu.sync_copy(val_v, shared.at[dst_v], add=True)

                return carry

            lax.fori_loop(0, nloop, body, 0)
            plsc.subcore_barrier()

            @pl.when(sidx == 0)
            def _():
                pltpu.sync_copy(shared, out_hbm.at[cidx])

            plsc.subcore_barrier()

        scatter_phase(emul, o_num)
        scatter_phase(e128, o_den)

    return k



def kernel(og_x, edge_index, edge_weight, W, att_l, att_r, W_res):
    src = edge_index[0]
    dst = edge_index[1]

    info = plsc.get_sparse_core_info()
    nc, ns = info.num_cores, info.num_subcores

    eye8 = jnp.eye(H, dtype=jnp.float32)
    pl_blk = (att_l[0][:, :, None] * eye8[:, None, :]).reshape(H * C, H)
    pr_blk = (att_r[0][:, :, None] * eye8[:, None, :]).reshape(H * C, H)
    b8 = jnp.repeat(eye8, C, axis=1)
    pl_rep = pl_blk @ b8
    pr_rep = pr_blk @ b8

    x, res, ar128 = _tc_matmuls(og_x, W.T, W_res.T, pr_rep)

    xg, arg = _make_sc_gather(nc, ns)(x, ar128, src, dst)

    ewb = jnp.repeat(edge_weight, H).reshape(E, H)
    e128, emul = _tc_edge(xg, arg, ewb, pl_rep, b8)

    zero_nd = jnp.zeros((N, D), jnp.float32)
    numer_parts, denom_parts = _make_sc_scatter(nc, ns)(
        emul, e128, dst, zero_nd)

    return _tc_final(numer_parts, denom_parts, res)

# --- scband reference (transcript-rebuilt; emitter-appended) ---
"""Pipeline reference for scband-structural-attention-layer-48395691491596 (READ-ONLY COPY).

The authoritative reference and input builder live on the scoring server;
editing this copy changes nothing except your own understanding.
"""

import jax, jax.numpy as jnp
import numpy as np

N = 10000
E = 320000
D = 128
H = 8
C = 16  # out_dim per head = output_dim // n_heads = 128 // 8


def setup_inputs(seed: int = 0) -> dict:
    key = jax.random.key(seed)
    ks = jax.random.split(key, 7)
    og_x = jax.random.normal(ks[0], (N, D), dtype=jnp.float32)
    edge_index = jax.random.randint(ks[1], (2, E), 0, N, dtype=jnp.int32)
    edge_weight = jax.random.uniform(ks[2], (E,), dtype=jnp.float32)
    # learned parameters (xavier-ish scaling)
    W = jax.random.normal(ks[3], (H * C, D), dtype=jnp.float32) * (1.0 / np.sqrt(D))
    att_l = jax.random.normal(ks[4], (1, H, C), dtype=jnp.float32) * (1.0 / np.sqrt(C))
    att_r = jax.random.normal(ks[5], (1, H, C), dtype=jnp.float32) * (1.0 / np.sqrt(C))
    W_res = jax.random.normal(ks[6], (H * C, D), dtype=jnp.float32) * (1.0 / np.sqrt(D))
    return {
        "og_x": og_x,
        "edge_index": edge_index,
        "edge_weight": edge_weight,
        "W": W,
        "att_l": att_l,
        "att_r": att_r,
        "W_res": W_res,
    }


def reference(og_x, edge_index, edge_weight, W, att_l, att_r, W_res):
    src = edge_index[0]
    dst = edge_index[1]
    ew = edge_weight[:, None]  # edge_weight.unsqueeze(-1)
    # x = self.lin(og_x).view(-1, H, C)
    x = (og_x @ W.T).reshape(-1, H, C)
    alpha_l = jnp.sum(x * att_l, axis=-1)  # [N, H]
    alpha_r = jnp.sum(x * att_r, axis=-1)  # [N, H]
    alpha = alpha_l[src] + alpha_r[dst]    # [E, H]
    alpha = ew * alpha
    alpha = jax.nn.leaky_relu(alpha, negative_slope=0.2)
    # segment softmax over destination nodes (pyg softmax)
    m = jax.ops.segment_max(alpha, dst, num_segments=N)
    m = jnp.where(jnp.isfinite(m), m, 0.0)
    e = jnp.exp(alpha - m[dst])
    s = jax.ops.segment_sum(e, dst, num_segments=N)
    coeff = e / (s[dst] + 1e-16)           # [E, H]
    # dropout layers are identity in eval mode (self.training == False)
    x_j = x[src]                            # [E, H, C] gather
    out = jax.ops.segment_sum(x_j * coeff[..., None], dst, num_segments=N)  # scatter-add
    out = jax.nn.elu(out)
    out = out.reshape(-1, H * C)
    out = out + og_x @ W_res.T              # residual branch
    return out

if __name__ == "__main__":
    import jax
    _d = setup_inputs()
    print(jax.jit(kernel)(*tuple(_d.values())))

</pallas_src>

<mosaic_0001>
#map = affine_map<(d0, d1) -> (0, 0)>
#map1 = affine_map<(d0, d1) -> (0)>
module attributes {stable_mosaic.version = 14 : i64} {
  func.func @k(%arg0: i32, %arg1: i32, %arg2: memref<10000x128xf32, #tpu.memory_space<hbm>>, %arg3: memref<10000x128xf32, #tpu.memory_space<hbm>>, %arg4: memref<320000xi32, #tpu.memory_space<hbm>>, %arg5: memref<320000xi32, #tpu.memory_space<hbm>>, %arg6: memref<320000x128xf32, #tpu.memory_space<hbm>>, %arg7: memref<320000x128xf32, #tpu.memory_space<hbm>>, %arg8: memref<128xi32, #tpu.memory_space<vmem>>, %arg9: memref<128xi32, #tpu.memory_space<vmem>>, %arg10: memref<128x128xf32, #tpu.memory_space<vmem>>, %arg11: memref<128x128xf32, #tpu.memory_space<vmem>>, %arg12: memref<!tpu.dma_semaphore, #tpu.memory_space<semaphore_mem>>) attributes {dimension_semantics = [#tpu.dimension_semantics<core_parallel>, #tpu.dimension_semantics<subcore_parallel>], iteration_bounds = array<i64: 2, 16>, scalar_prefetch = 0 : i64, scratch_operands = 5 : i64, tpu.core_type = #tpu.core_type<sc_vector_subcore>, window_params = [{transform_indices = #map}, {transform_indices = #map}, {transform_indices = #map1}, {transform_indices = #map1}, {transform_indices = #map}, {transform_indices = #map}]} {
    %mul3A = arith.constant 2 : i32
    %mul3A_0 = arith.muli %arg1, %mul3A : i32
    %add3A = arith.addi %mul3A_0, %arg0 : i32
    %scan3A = arith.constant 0 : i32
    %scan3A_1 = arith.constant 0 : i32
    %scan3A_2 = arith.constant 79 : i32
    %scan3A_3 = arith.addi %scan3A_1, %scan3A_2 : i32
    %scan3A_4 = arith.constant 1 : i32
    scf.for %scan3A_6 = %scan3A_1 to %scan3A_3 step %scan3A_4  : i32 {
      %mul3A_7 = arith.constant 32 : i32
      %mul3A_8 = arith.muli %scan3A_6, %mul3A_7 : i32
      %add3A_9 = arith.addi %add3A, %mul3A_8 : i32
      %lt3A = arith.constant 2500 : i32
      %lt3A_10 = arith.cmpi slt, %add3A_9, %lt3A : i32
      %convert_element_type3A = arith.extui %lt3A_10 : i1 to i32
      %cond3A = arith.constant 0 : i32
      %cond3A_11 = arith.cmpi ne, %convert_element_type3A, %cond3A : i32
      scf.if %cond3A_11 {
        %mul3A_12 = arith.constant 128 : i32
        %mul3A_13 = arith.muli %add3A_9, %mul3A_12 : i32
        "tpu.region"() ({
          %run_scoped3A = tpu.sem_alloc : memref<!tpu.dma_semaphore, #tpu.memory_space<semaphore_mem>>
          %dma_start3A_24 = tpu.memref_slice %arg4[%mul3A_13] : memref<320000xi32, #tpu.memory_space<hbm>> -> memref<128xi32, #tpu.memory_space<hbm>>
          %dma_start3A_25 = tpu.memref_slice %arg4[%mul3A_13] : memref<320000xi32, #tpu.memory_space<hbm>> -> memref<128xi32, #tpu.memory_space<hbm>>
          tpu.enqueue_dma source(%dma_start3A_25 : memref<128xi32, #tpu.memory_space<hbm>>) target(%arg8 : memref<128xi32, #tpu.memory_space<vmem>>) target_semaphore(%run_scoped3A : memref<!tpu.dma_semaphore, #tpu.memory_space<semaphore_mem>>)
          %dma_wait3A_26 = tpu.memref_slice %arg4[%mul3A_13] : memref<320000xi32, #tpu.memory_space<hbm>> -> memref<128xi32, #tpu.memory_space<hbm>>
          %dma_wait3A_27 = tpu.memref_slice %arg4[%mul3A_13] : memref<320000xi32, #tpu.memory_space<hbm>> -> memref<128xi32, #tpu.memory_space<hbm>>
          tpu.wait_dma2 semaphore(%run_scoped3A : memref<!tpu.dma_semaphore, #tpu.memory_space<semaphore_mem>>) src(%dma_wait3A_27 : memref<128xi32, #tpu.memory_space<hbm>>) dst(%arg8 : memref<128xi32, #tpu.memory_space<vmem>>)
          tpu.yield
        }) : () -> ()
        "tpu.region"() ({
          %run_scoped3A = tpu.sem_alloc : memref<!tpu.dma_semaphore, #tpu.memory_space<semaphore_mem>>
          %dma_start3A_24 = tpu.memref_slice %arg5[%mul3A_13] : memref<320000xi32, #tpu.memory_space<hbm>> -> memref<128xi32, #tpu.memory_space<hbm>>
          %dma_start3A_25 = tpu.memref_slice %arg5[%mul3A_13] : memref<320000xi32, #tpu.memory_space<hbm>> -> memref<128xi32, #tpu.memory_space<hbm>>
          tpu.enqueue_dma source(%dma_start3A_25 : memref<128xi32, #tpu.memory_space<hbm>>) target(%arg9 : memref<128xi32, #tpu.memory_space<vmem>>) target_semaphore(%run_scoped3A : memref<!tpu.dma_semaphore, #tpu.memory_space<semaphore_mem>>)
          %dma_wait3A_26 = tpu.memref_slice %arg5[%mul3A_13] : memref<320000xi32, #tpu.memory_space<hbm>> -> memref<128xi32, #tpu.memory_space<hbm>>
          %dma_wait3A_27 = tpu.memref_slice %arg5[%mul3A_13] : memref<320000xi32, #tpu.memory_space<hbm>> -> memref<128xi32, #tpu.memory_space<hbm>>
          tpu.wait_dma2 semaphore(%run_scoped3A : memref<!tpu.dma_semaphore, #tpu.memory_space<semaphore_mem>>) src(%dma_wait3A_27 : memref<128xi32, #tpu.memory_space<hbm>>) dst(%arg9 : memref<128xi32, #tpu.memory_space<vmem>>)
          tpu.yield
        }) : () -> ()
        %dma_start3A = arith.constant 0 : i32
        %dma_start3A_14 = arith.constant 0 : i32
        %dma_start3A_15 = tpu.memref_slice %arg2[%dma_start3A, %dma_start3A_14] : memref<10000x128xf32, #tpu.memory_space<hbm>> -> memref<10000x128xf32, #tpu.memory_space<hbm>>
        tpu.enqueue_indirect_dma source(%dma_start3A_15 : memref<10000x128xf32, #tpu.memory_space<hbm>>) target(%arg10 : memref<128x128xf32, #tpu.memory_space<vmem>>) offsets(%arg8 : memref<128xi32, #tpu.memory_space<vmem>>) semaphore(%arg12 : memref<!tpu.dma_semaphore, #tpu.memory_space<semaphore_mem>>)
        %dma_start3A_16 = arith.constant 0 : i32
        %dma_start3A_17 = arith.constant 0 : i32
        %dma_start3A_18 = tpu.memref_slice %arg3[%dma_start3A_16, %dma_start3A_17] : memref<10000x128xf32, #tpu.memory_space<hbm>> -> memref<10000x128xf32, #tpu.memory_space<hbm>>
        tpu.enqueue_indirect_dma source(%dma_start3A_18 : memref<10000x128xf32, #tpu.memory_space<hbm>>) target(%arg11 : memref<128x128xf32, #tpu.memory_space<vmem>>) offsets(%arg9 : memref<128xi32, #tpu.memory_space<vmem>>) semaphore(%arg12 : memref<!tpu.dma_semaphore, #tpu.memory_space<semaphore_mem>>)
        %dma_wait3A = arith.constant 0 : i32
        %dma_wait3A_19 = arith.constant 0 : i32
        %dma_wait3A_20 = tpu.memref_slice %arg2[%dma_wait3A, %dma_wait3A_19] : memref<10000x128xf32, #tpu.memory_space<hbm>> -> memref<10000x128xf32, #tpu.memory_space<hbm>>
        tpu.wait_indirect_dma semaphore(%arg12 : memref<!tpu.dma_semaphore, #tpu.memory_space<semaphore_mem>>) src(%dma_wait3A_20 : memref<10000x128xf32, #tpu.memory_space<hbm>>) dst(%arg10 : memref<128x128xf32, #tpu.memory_space<vmem>>)
        %dma_wait3A_21 = arith.constant 0 : i32
        %dma_wait3A_22 = arith.constant 0 : i32
        %dma_wait3A_23 = tpu.memref_slice %arg3[%dma_wait3A_21, %dma_wait3A_22] : memref<10000x128xf32, #tpu.memory_space<hbm>> -> memref<10000x128xf32, #tpu.memory_space<hbm>>
        tpu.wait_indirect_dma semaphore(%arg12 : memref<!tpu.dma_semaphore, #tpu.memory_space<semaphore_mem>>) src(%dma_wait3A_23 : memref<10000x128xf32, #tpu.memory_space<hbm>>) dst(%arg11 : memref<128x128xf32, #tpu.memory_space<vmem>>)
        "tpu.region"() ({
          %run_scoped3A = tpu.sem_alloc : memref<!tpu.dma_semaphore, #tpu.memory_space<semaphore_mem>>
          %dma_start3A_24 = arith.constant 0 : i32
          %dma_start3A_25 = tpu.memref_slice %arg6[%mul3A_13, %dma_start3A_24] : memref<320000x128xf32, #tpu.memory_space<hbm>> -> memref<128x128xf32, #tpu.memory_space<hbm>>
          %dma_start3A_26 = arith.constant 0 : i32
          %dma_start3A_27 = tpu.memref_slice %arg6[%mul3A_13, %dma_start3A_26] : memref<320000x128xf32, #tpu.memory_space<hbm>> -> memref<128x128xf32, #tpu.memory_space<hbm>>
          tpu.enqueue_dma source(%arg10 : memref<128x128xf32, #tpu.memory_space<vmem>>) target(%dma_start3A_27 : memref<128x128xf32, #tpu.memory_space<hbm>>) target_semaphore(%run_scoped3A : memref<!tpu.dma_semaphore, #tpu.memory_space<semaphore_mem>>)
          %dma_wait3A_28 = arith.constant 0 : i32
          %dma_wait3A_29 = tpu.memref_slice %arg6[%mul3A_13, %dma_wait3A_28] : memref<320000x128xf32, #tpu.memory_space<hbm>> -> memref<128x128xf32, #tpu.memory_space<hbm>>
          %dma_wait3A_30 = arith.constant 0 : i32
          %dma_wait3A_31 = tpu.memref_slice %arg6[%mul3A_13, %dma_wait3A_30] : memref<320000x128xf32, #tpu.memory_space<hbm>> -> memref<128x128xf32, #tpu.memory_space<hbm>>
          tpu.wait_dma2 semaphore(%run_scoped3A : memref<!tpu.dma_semaphore, #tpu.memory_space<semaphore_mem>>) src(%arg10 : memref<128x128xf32, #tpu.memory_space<vmem>>) dst(%dma_wait3A_31 : memref<128x128xf32, #tpu.memory_space<hbm>>)
          tpu.yield
        }) : () -> ()
        "tpu.region"() ({
          %run_scoped3A = tpu.sem_alloc : memref<!tpu.dma_semaphore, #tpu.memory_space<semaphore_mem>>
          %dma_start3A_24 = arith.constant 0 : i32
          %dma_start3A_25 = tpu.memref_slice %arg7[%mul3A_13, %dma_start3A_24] : memref<320000x128xf32, #tpu.memory_space<hbm>> -> memref<128x128xf32, #tpu.memory_space<hbm>>
          %dma_start3A_26 = arith.constant 0 : i32
          %dma_start3A_27 = tpu.memref_slice %arg7[%mul3A_13, %dma_start3A_26] : memref<320000x128xf32, #tpu.memory_space<hbm>> -> memref<128x128xf32, #tpu.memory_space<hbm>>
          tpu.enqueue_dma source(%arg11 : memref<128x128xf32, #tpu.memory_space<vmem>>) target(%dma_start3A_27 : memref<128x128xf32, #tpu.memory_space<hbm>>) target_semaphore(%run_scoped3A : memref<!tpu.dma_semaphore, #tpu.memory_space<semaphore_mem>>)
          %dma_wait3A_28 = arith.constant 0 : i32
          %dma_wait3A_29 = tpu.memref_slice %arg7[%mul3A_13, %dma_wait3A_28] : memref<320000x128xf32, #tpu.memory_space<hbm>> -> memref<128x128xf32, #tpu.memory_space<hbm>>
          %dma_wait3A_30 = arith.constant 0 : i32
          %dma_wait3A_31 = tpu.memref_slice %arg7[%mul3A_13, %dma_wait3A_30] : memref<320000x128xf32, #tpu.memory_space<hbm>> -> memref<128x128xf32, #tpu.memory_space<hbm>>
          tpu.wait_dma2 semaphore(%run_scoped3A : memref<!tpu.dma_semaphore, #tpu.memory_space<semaphore_mem>>) src(%arg11 : memref<128x128xf32, #tpu.memory_space<vmem>>) dst(%dma_wait3A_31 : memref<128x128xf32, #tpu.memory_space<hbm>>)
          tpu.yield
        }) : () -> ()
      } else {
      }
    }
    %scan3A_5 = arith.constant 79 : i32
    return
  }
}

#map = affine_map<(d0, d1) -> (0, 0)>
#map1 = affine_map<(d0, d1) -> (0)>
#map2 = affine_map<(d0, d1) -> (0, 0, 0)>
module attributes {stable_mosaic.version = 14 : i64} {
  func.func @k(%arg0: i32, %arg1: i32, %arg2: memref<320000x128xf32, #tpu.memory_space<hbm>>, %arg3: memref<320000x128xf32, #tpu.memory_space<hbm>>, %arg4: memref<320000xi32, #tpu.memory_space<hbm>>, %arg5: memref<10000x128xf32, #tpu.memory_space<hbm>>, %arg6: memref<2x10000x128xf32, #tpu.memory_space<hbm>>, %arg7: memref<2x10000x128xf32, #tpu.memory_space<hbm>>, %arg8: memref<10000x128xf32, #tpu.memory_space<vmem_shared>>, %arg9: memref<128xi32, #tpu.memory_space<vmem>>, %arg10: memref<128x128xf32, #tpu.memory_space<vmem>>) attributes {dimension_semantics = [#tpu.dimension_semantics<core_parallel>, #tpu.dimension_semantics<subcore_parallel>], iteration_bounds = array<i64: 2, 16>, scalar_prefetch = 0 : i64, scratch_operands = 3 : i64, tpu.core_type = #tpu.core_type<sc_vector_subcore>, window_params = [{transform_indices = #map}, {transform_indices = #map}, {transform_indices = #map1}, {transform_indices = #map}, {transform_indices = #map2}, {transform_indices = #map2}]} {
    %mul3A = arith.constant 2 : i32
    %mul3A_0 = arith.muli %arg1, %mul3A : i32
    %add3A = arith.addi %mul3A_0, %arg0 : i32
    %eq3A = arith.constant 0 : i32
    %eq3A_1 = arith.cmpi eq, %arg1, %eq3A : i32
    %convert_element_type3A = arith.extui %eq3A_1 : i1 to i32
    %cond3A = arith.constant 0 : i32
    %cond3A_2 = arith.cmpi ne, %convert_element_type3A, %cond3A : i32
    scf.if %cond3A_2 {
      "tpu.region"() ({
        %run_scoped3A = tpu.sem_alloc : memref<!tpu.dma_semaphore, #tpu.memory_space<semaphore_mem>>
        tpu.enqueue_dma source(%arg5 : memref<10000x128xf32, #tpu.memory_space<hbm>>) target(%arg8 : memref<10000x128xf32, #tpu.memory_space<vmem_shared>>) target_semaphore(%run_scoped3A : memref<!tpu.dma_semaphore, #tpu.memory_space<semaphore_mem>>)
        tpu.wait_dma2 semaphore(%run_scoped3A : memref<!tpu.dma_semaphore, #tpu.memory_space<semaphore_mem>>) src(%arg5 : memref<10000x128xf32, #tpu.memory_space<hbm>>) dst(%arg8 : memref<10000x128xf32, #tpu.memory_space<vmem_shared>>)
        tpu.yield
      }) : () -> ()
    } else {
    }
    %barrier3A = arith.constant 0 : index
    tpu.barrier barrier_id(%barrier3A)
    %scan3A = arith.constant 0 : i32
    %scan3A_3 = arith.constant 0 : i32
    %scan3A_4 = arith.constant 79 : i32
    %scan3A_5 = arith.addi %scan3A_3, %scan3A_4 : i32
    %scan3A_6 = arith.constant 1 : i32
    scf.for %scan3A_34 = %scan3A_3 to %scan3A_5 step %scan3A_6  : i32 {
      %mul3A_35 = arith.constant 32 : i32
      %mul3A_36 = arith.muli %scan3A_34, %mul3A_35 : i32
      %add3A_37 = arith.addi %add3A, %mul3A_36 : i32
      %lt3A = arith.constant 2500 : i32
      %lt3A_38 = arith.cmpi slt, %add3A_37, %lt3A : i32
      %convert_element_type3A_39 = arith.extui %lt3A_38 : i1 to i32
      %cond3A_40 = arith.constant 0 : i32
      %cond3A_41 = arith.cmpi ne, %convert_element_type3A_39, %cond3A_40 : i32
      scf.if %cond3A_41 {
        %mul3A_42 = arith.constant 128 : i32
        %mul3A_43 = arith.muli %add3A_37, %mul3A_42 : i32
        "tpu.region"() ({
          %run_scoped3A = tpu.sem_alloc : memref<!tpu.dma_semaphore, #tpu.memory_space<semaphore_mem>>
          %dma_start3A = tpu.memref_slice %arg4[%mul3A_43] : memref<320000xi32, #tpu.memory_space<hbm>> -> memref<128xi32, #tpu.memory_space<hbm>>
          %dma_start3A_44 = tpu.memref_slice %arg4[%mul3A_43] : memref<320000xi32, #tpu.memory_space<hbm>> -> memref<128xi32, #tpu.memory_space<hbm>>
          tpu.enqueue_dma source(%dma_start3A_44 : memref<128xi32, #tpu.memory_space<hbm>>) target(%arg9 : memref<128xi32, #tpu.memory_space<vmem>>) target_semaphore(%run_scoped3A : memref<!tpu.dma_semaphore, #tpu.memory_space<semaphore_mem>>)
          %dma_wait3A = tpu.memref_slice %arg4[%mul3A_43] : memref<320000xi32, #tpu.memory_space<hbm>> -> memref<128xi32, #tpu.memory_space<hbm>>
          %dma_wait3A_45 = tpu.memref_slice %arg4[%mul3A_43] : memref<320000xi32, #tpu.memory_space<hbm>> -> memref<128xi32, #tpu.memory_space<hbm>>
          tpu.wait_dma2 semaphore(%run_scoped3A : memref<!tpu.dma_semaphore, #tpu.memory_space<semaphore_mem>>) src(%dma_wait3A_45 : memref<128xi32, #tpu.memory_space<hbm>>) dst(%arg9 : memref<128xi32, #tpu.memory_space<vmem>>)
          tpu.yield
        }) : () -> ()
        "tpu.region"() ({
          %run_scoped3A = tpu.sem_alloc : memref<!tpu.dma_semaphore, #tpu.memory_space<semaphore_mem>>
          %dma_start3A = arith.constant 0 : i32
          %dma_start3A_44 = tpu.memref_slice %arg2[%mul3A_43, %dma_start3A] : memref<320000x128xf32, #tpu.memory_space<hbm>> -> memref<128x128xf32, #tpu.memory_space<hbm>>
          %dma_start3A_45 = arith.constant 0 : i32
          %dma_start3A_46 = tpu.memref_slice %arg2[%mul3A_43, %dma_start3A_45] : memref<320000x128xf32, #tpu.memory_space<hbm>> -> memref<128x128xf32, #tpu.memory_space<hbm>>
          tpu.enqueue_dma source(%dma_start3A_46 : memref<128x128xf32, #tpu.memory_space<hbm>>) target(%arg10 : memref<128x128xf32, #tpu.memory_space<vmem>>) target_semaphore(%run_scoped3A : memref<!tpu.dma_semaphore, #tpu.memory_space<semaphore_mem>>)
          %dma_wait3A = arith.constant 0 : i32
          %dma_wait3A_47 = tpu.memref_slice %arg2[%mul3A_43, %dma_wait3A] : memref<320000x128xf32, #tpu.memory_space<hbm>> -> memref<128x128xf32, #tpu.memory_space<hbm>>
          %dma_wait3A_48 = arith.constant 0 : i32
          %dma_wait3A_49 = tpu.memref_slice %arg2[%mul3A_43, %dma_wait3A_48] : memref<320000x128xf32, #tpu.memory_space<hbm>> -> memref<128x128xf32, #tpu.memory_space<hbm>>
          tpu.wait_dma2 semaphore(%run_scoped3A : memref<!tpu.dma_semaphore, #tpu.memory_space<semaphore_mem>>) src(%dma_wait3A_49 : memref<128x128xf32, #tpu.memory_space<hbm>>) dst(%arg10 : memref<128x128xf32, #tpu.memory_space<vmem>>)
          tpu.yield
        }) : () -> ()
        "tpu.region"() ({
          %run_scoped3A = tpu.sem_alloc : memref<!tpu.dma_semaphore, #tpu.memory_space<semaphore_mem>>
          %dma_start3A = arith.constant 0 : i32
          %dma_start3A_44 = arith.constant 0 : i32
          %dma_start3A_45 = tpu.memref_slice %arg8[%dma_start3A, %dma_start3A_44] : memref<10000x128xf32, #tpu.memory_space<vmem_shared>> -> memref<10000x128xf32, #tpu.memory_space<vmem_shared>>
          tpu.enqueue_indirect_dma source(%arg10 : memref<128x128xf32, #tpu.memory_space<vmem>>) target(%dma_start3A_45 : memref<10000x128xf32, #tpu.memory_space<vmem_shared>>) offsets(%arg9 : memref<128xi32, #tpu.memory_space<vmem>>) semaphore(%run_scoped3A : memref<!tpu.dma_semaphore, #tpu.memory_space<semaphore_mem>>) {add = true}
          %dma_wait3A = arith.constant 0 : i32
          %dma_wait3A_46 = arith.constant 0 : i32
          %dma_wait3A_47 = tpu.memref_slice %arg8[%dma_wait3A, %dma_wait3A_46] : memref<10000x128xf32, #tpu.memory_space<vmem_shared>> -> memref<10000x128xf32, #tpu.memory_space<vmem_shared>>
          tpu.wait_indirect_dma semaphore(%run_scoped3A : memref<!tpu.dma_semaphore, #tpu.memory_space<semaphore_mem>>) src(%arg10 : memref<128x128xf32, #tpu.memory_space<vmem>>) dst(%dma_wait3A_47 : memref<10000x128xf32, #tpu.memory_space<vmem_shared>>)
          tpu.yield
        }) : () -> ()
      } else {
      }
    }
    %scan3A_7 = arith.constant 79 : i32
    %barrier3A_8 = arith.constant 0 : index
    tpu.barrier barrier_id(%barrier3A_8)
    %eq3A_9 = arith.constant 0 : i32
    %eq3A_10 = arith.cmpi eq, %arg1, %eq3A_9 : i32
    %convert_element_type3A_11 = arith.extui %eq3A_10 : i1 to i32
    %cond3A_12 = arith.constant 0 : i32
    %cond3A_13 = arith.cmpi ne, %convert_element_type3A_11, %cond3A_12 : i32
    scf.if %cond3A_13 {
      "tpu.region"() ({
        %run_scoped3A = tpu.sem_alloc : memref<!tpu.dma_semaphore, #tpu.memory_space<semaphore_mem>>
        %dma_start3A = arith.constant 0 : i32
        %dma_start3A_34 = arith.constant 0 : i32
        %dma_start3A_35 = tpu.memref_slice %arg6[%arg0, %dma_start3A, %dma_start3A_34] : memref<2x10000x128xf32, #tpu.memory_space<hbm>> -> memref<1x10000x128xf32, #tpu.memory_space<hbm>>
        %dma_start3A_36 = tpu.memref_squeeze %dma_start3A_35 : memref<1x10000x128xf32, #tpu.memory_space<hbm>> -> memref<10000x128xf32, #tpu.memory_space<hbm>>
        tpu.enqueue_dma source(%arg8 : memref<10000x128xf32, #tpu.memory_space<vmem_shared>>) target(%dma_start3A_36 : memref<10000x128xf32, #tpu.memory_space<hbm>>) target_semaphore(%run_scoped3A : memref<!tpu.dma_semaphore, #tpu.memory_space<semaphore_mem>>)
        %dma_wait3A = arith.constant 0 : i32
        %dma_wait3A_37 = arith.constant 0 : i32
        %dma_wait3A_38 = tpu.memref_slice %arg6[%arg0, %dma_wait3A, %dma_wait3A_37] : memref<2x10000x128xf32, #tpu.memory_space<hbm>> -> memref<1x10000x128xf32, #tpu.memory_space<hbm>>
        %dma_wait3A_39 = tpu.memref_squeeze %dma_wait3A_38 : memref<1x10000x128xf32, #tpu.memory_space<hbm>> -> memref<10000x128xf32, #tpu.memory_space<hbm>>
        tpu.wait_dma2 semaphore(%run_scoped3A : memref<!tpu.dma_semaphore, #tpu.memory_space<semaphore_mem>>) src(%arg8 : memref<10000x128xf32, #tpu.memory_space<vmem_shared>>) dst(%dma_wait3A_39 : memref<10000x128xf32, #tpu.memory_space<hbm>>)
        tpu.yield
      }) : () -> ()
    } else {
    }
    %barrier3A_14 = arith.constant 0 : index
    tpu.barrier barrier_id(%barrier3A_14)
    %eq3A_15 = arith.constant 0 : i32
    %eq3A_16 = arith.cmpi eq, %arg1, %eq3A_15 : i32
    %convert_element_type3A_17 = arith.extui %eq3A_16 : i1 to i32
    %cond3A_18 = arith.constant 0 : i32
    %cond3A_19 = arith.cmpi ne, %convert_element_type3A_17, %cond3A_18 : i32
    scf.if %cond3A_19 {
      "tpu.region"() ({
        %run_scoped3A = tpu.sem_alloc : memref<!tpu.dma_semaphore, #tpu.memory_space<semaphore_mem>>
        tpu.enqueue_dma source(%arg5 : memref<10000x128xf32, #tpu.memory_space<hbm>>) target(%arg8 : memref<10000x128xf32, #tpu.memory_space<vmem_shared>>) target_semaphore(%run_scoped3A : memref<!tpu.dma_semaphore, #tpu.memory_space<semaphore_mem>>)
        tpu.wait_dma2 semaphore(%run_scoped3A : memref<!tpu.dma_semaphore, #tpu.memory_space<semaphore_mem>>) src(%arg5 : memref<10000x128xf32, #tpu.memory_space<hbm>>) dst(%arg8 : memref<10000x128xf32, #tpu.memory_space<vmem_shared>>)
        tpu.yield
      }) : () -> ()
    } else {
    }
    %barrier3A_20 = arith.constant 0 : index
    tpu.barrier barrier_id(%barrier3A_20)
    %scan3A_21 = arith.constant 0 : i32
    %scan3A_22 = arith.constant 0 : i32
    %scan3A_23 = arith.constant 79 : i32
    %scan3A_24 = arith.addi %scan3A_22, %scan3A_23 : i32
    %scan3A_25 = arith.constant 1 : i32
    scf.for %scan3A_34 = %scan3A_22 to %scan3A_24 step %scan3A_25  : i32 {
      %mul3A_35 = arith.constant 32 : i32
      %mul3A_36 = arith.muli %scan3A_34, %mul3A_35 : i32
      %add3A_37 = arith.addi %add3A, %mul3A_36 : i32
      %lt3A = arith.constant 2500 : i32
      %lt3A_38 = arith.cmpi slt, %add3A_37, %lt3A : i32
      %convert_element_type3A_39 = arith.extui %lt3A_38 : i1 to i32
      %cond3A_40 = arith.constant 0 : i32
      %cond3A_41 = arith.cmpi ne, %convert_element_type3A_39, %cond3A_40 : i32
      scf.if %cond3A_41 {
        %mul3A_42 = arith.constant 128 : i32
        %mul3A_43 = arith.muli %add3A_37, %mul3A_42 : i32
        "tpu.region"() ({
          %run_scoped3A = tpu.sem_alloc : memref<!tpu.dma_semaphore, #tpu.memory_space<semaphore_mem>>
          %dma_start3A = tpu.memref_slice %arg4[%mul3A_43] : memref<320000xi32, #tpu.memory_space<hbm>> -> memref<128xi32, #tpu.memory_space<hbm>>
          %dma_start3A_44 = tpu.memref_slice %arg4[%mul3A_43] : memref<320000xi32, #tpu.memory_space<hbm>> -> memref<128xi32, #tpu.memory_space<hbm>>
          tpu.enqueue_dma source(%dma_start3A_44 : memref<128xi32, #tpu.memory_space<hbm>>) target(%arg9 : memref<128xi32, #tpu.memory_space<vmem>>) target_semaphore(%run_scoped3A : memref<!tpu.dma_semaphore, #tpu.memory_space<semaphore_mem>>)
          %dma_wait3A = tpu.memref_slice %arg4[%mul3A_43] : memref<320000xi32, #tpu.memory_space<hbm>> -> memref<128xi32, #tpu.memory_space<hbm>>
          %dma_wait3A_45 = tpu.memref_slice %arg4[%mul3A_43] : memref<320000xi32, #tpu.memory_space<hbm>> -> memref<128xi32, #tpu.memory_space<hbm>>
          tpu.wait_dma2 semaphore(%run_scoped3A : memref<!tpu.dma_semaphore, #tpu.memory_space<semaphore_mem>>) src(%dma_wait3A_45 : memref<128xi32, #tpu.memory_space<hbm>>) dst(%arg9 : memref<128xi32, #tpu.memory_space<vmem>>)
          tpu.yield
        }) : () -> ()
        "tpu.region"() ({
          %run_scoped3A = tpu.sem_alloc : memref<!tpu.dma_semaphore, #tpu.memory_space<semaphore_mem>>
          %dma_start3A = arith.constant 0 : i32
          %dma_start3A_44 = tpu.memref_slice %arg3[%mul3A_43, %dma_start3A] : memref<320000x128xf32, #tpu.memory_space<hbm>> -> memref<128x128xf32, #tpu.memory_space<hbm>>
          %dma_start3A_45 = arith.constant 0 : i32
          %dma_start3A_46 = tpu.memref_slice %arg3[%mul3A_43, %dma_start3A_45] : memref<320000x128xf32, #tpu.memory_space<hbm>> -> memref<128x128xf32, #tpu.memory_space<hbm>>
          tpu.enqueue_dma source(%dma_start3A_46 : memref<128x128xf32, #tpu.memory_space<hbm>>) target(%arg10 : memref<128x128xf32, #tpu.memory_space<vmem>>) target_semaphore(%run_scoped3A : memref<!tpu.dma_semaphore, #tpu.memory_space<semaphore_mem>>)
          %dma_wait3A = arith.constant 0 : i32
          %dma_wait3A_47 = tpu.memref_slice %arg3[%mul3A_43, %dma_wait3A] : memref<320000x128xf32, #tpu.memory_space<hbm>> -> memref<128x128xf32, #tpu.memory_space<hbm>>
          %dma_wait3A_48 = arith.constant 0 : i32
          %dma_wait3A_49 = tpu.memref_slice %arg3[%mul3A_43, %dma_wait3A_48] : memref<320000x128xf32, #tpu.memory_space<hbm>> -> memref<128x128xf32, #tpu.memory_space<hbm>>
          tpu.wait_dma2 semaphore(%run_scoped3A : memref<!tpu.dma_semaphore, #tpu.memory_space<semaphore_mem>>) src(%dma_wait3A_49 : memref<128x128xf32, #tpu.memory_space<hbm>>) dst(%arg10 : memref<128x128xf32, #tpu.memory_space<vmem>>)
          tpu.yield
        }) : () -> ()
        "tpu.region"() ({
          %run_scoped3A = tpu.sem_alloc : memref<!tpu.dma_semaphore, #tpu.memory_space<semaphore_mem>>
          %dma_start3A = arith.constant 0 : i32
          %dma_start3A_44 = arith.constant 0 : i32
          %dma_start3A_45 = tpu.memref_slice %arg8[%dma_start3A, %dma_start3A_44] : memref<10000x128xf32, #tpu.memory_space<vmem_shared>> -> memref<10000x128xf32, #tpu.memory_space<vmem_shared>>
          tpu.enqueue_indirect_dma source(%arg10 : memref<128x128xf32, #tpu.memory_space<vmem>>) target(%dma_start3A_45 : memref<10000x128xf32, #tpu.memory_space<vmem_shared>>) offsets(%arg9 : memref<128xi32, #tpu.memory_space<vmem>>) semaphore(%run_scoped3A : memref<!tpu.dma_semaphore, #tpu.memory_space<semaphore_mem>>) {add = true}
          %dma_wait3A = arith.constant 0 : i32
          %dma_wait3A_46 = arith.constant 0 : i32
          %dma_wait3A_47 = tpu.memref_slice %arg8[%dma_wait3A, %dma_wait3A_46] : memref<10000x128xf32, #tpu.memory_space<vmem_shared>> -> memref<10000x128xf32, #tpu.memory_space<vmem_shared>>
          tpu.wait_indirect_dma semaphore(%run_scoped3A : memref<!tpu.dma_semaphore, #tpu.memory_space<semaphore_mem>>) src(%arg10 : memref<128x128xf32, #tpu.memory_space<vmem>>) dst(%dma_wait3A_47 : memref<10000x128xf32, #tpu.memory_space<vmem_shared>>)
          tpu.yield
        }) : () -> ()
      } else {
      }
    }
    %scan3A_26 = arith.constant 79 : i32
    %barrier3A_27 = arith.constant 0 : index
    tpu.barrier barrier_id(%barrier3A_27)
    %eq3A_28 = arith.constant 0 : i32
    %eq3A_29 = arith.cmpi eq, %arg1, %eq3A_28 : i32
    %convert_element_type3A_30 = arith.extui %eq3A_29 : i1 to i32
    %cond3A_31 = arith.constant 0 : i32
    %cond3A_32 = arith.cmpi ne, %convert_element_type3A_30, %cond3A_31 : i32
    scf.if %cond3A_32 {
      "tpu.region"() ({
        %run_scoped3A = tpu.sem_alloc : memref<!tpu.dma_semaphore, #tpu.memory_space<semaphore_mem>>
        %dma_start3A = arith.constant 0 : i32
        %dma_start3A_34 = arith.constant 0 : i32
        %dma_start3A_35 = tpu.memref_slice %arg7[%arg0, %dma_start3A, %dma_start3A_34] : memref<2x10000x128xf32, #tpu.memory_space<hbm>> -> memref<1x10000x128xf32, #tpu.memory_space<hbm>>
        %dma_start3A_36 = tpu.memref_squeeze %dma_start3A_35 : memref<1x10000x128xf32, #tpu.memory_space<hbm>> -> memref<10000x128xf32, #tpu.memory_space<hbm>>
        tpu.enqueue_dma source(%arg8 : memref<10000x128xf32, #tpu.memory_space<vmem_shared>>) target(%dma_start3A_36 : memref<10000x128xf32, #tpu.memory_space<hbm>>) target_semaphore(%run_scoped3A : memref<!tpu.dma_semaphore, #tpu.memory_space<semaphore_mem>>)
        %dma_wait3A = arith.constant 0 : i32
        %dma_wait3A_37 = arith.constant 0 : i32
        %dma_wait3A_38 = tpu.memref_slice %arg7[%arg0, %dma_wait3A, %dma_wait3A_37] : memref<2x10000x128xf32, #tpu.memory_space<hbm>> -> memref<1x10000x128xf32, #tpu.memory_space<hbm>>
        %dma_wait3A_39 = tpu.memref_squeeze %dma_wait3A_38 : memref<1x10000x128xf32, #tpu.memory_space<hbm>> -> memref<10000x128xf32, #tpu.memory_space<hbm>>
        tpu.wait_dma2 semaphore(%run_scoped3A : memref<!tpu.dma_semaphore, #tpu.memory_space<semaphore_mem>>) src(%arg8 : memref<10000x128xf32, #tpu.memory_space<vmem_shared>>) dst(%dma_wait3A_39 : memref<10000x128xf32, #tpu.memory_space<hbm>>)
        tpu.yield
      }) : () -> ()
    } else {
    }
    %barrier3A_33 = arith.constant 0 : index
    tpu.barrier barrier_id(%barrier3A_33)
    return
  }
}

module attributes {stable_mosaic.version = 14 : i64} {
  func.func @_mm_body(%arg0: i32, %arg1: memref<1000x128xf32, #tpu.memory_space<vmem>>, %arg2: memref<128x128xf32, #tpu.memory_space<vmem>>, %arg3: memref<128x128xf32, #tpu.memory_space<vmem>>, %arg4: memref<128x128xf32, #tpu.memory_space<vmem>>, %arg5: memref<1000x128xf32, #tpu.memory_space<vmem>>, %arg6: memref<1000x128xf32, #tpu.memory_space<vmem>>, %arg7: memref<1000x128xf32, #tpu.memory_space<vmem>>) attributes {dimension_semantics = [#tpu.dimension_semantics<arbitrary>], iteration_bounds = array<i64: 10>, scalar_prefetch = 0 : i64, scratch_operands = 0 : i64, tpu.core_type = #tpu.core_type<tc>, window_params = [{transform_indices = @transform_0, window_bounds = array<i64: 1000, 128>}, {pipeline_mode = #tpu.pipeline_mode<synchronous>, transform_indices = @transform_1, window_bounds = array<i64: 128, 128>}, {pipeline_mode = #tpu.pipeline_mode<synchronous>, transform_indices = @transform_2, window_bounds = array<i64: 128, 128>}, {pipeline_mode = #tpu.pipeline_mode<synchronous>, transform_indices = @transform_3, window_bounds = array<i64: 128, 128>}, {transform_indices = @transform_4, window_bounds = array<i64: 1000, 128>}, {transform_indices = @transform_5, window_bounds = array<i64: 1000, 128>}, {transform_indices = @transform_6, window_bounds = array<i64: 1000, 128>}]} {
    %get3A = arith.constant 0 : index
    %get3A_0 = arith.constant 0 : index
    %get3A_1 = vector.load %arg1[%get3A, %get3A_0] : memref<1000x128xf32, #tpu.memory_space<vmem>>, vector<1000x128xf32>
    %get3A_2 = arith.constant 0 : index
    %get3A_3 = arith.constant 0 : index
    %get3A_4 = vector.load %arg2[%get3A_2, %get3A_3] : memref<128x128xf32, #tpu.memory_space<vmem>>, vector<128x128xf32>
    %dot_general3A = arith.constant dense<0.000000e+00> : vector<1000x128xf32>
    %dot_general3A_5 = tpu.matmul %get3A_1, %get3A_4, %dot_general3A {dimension_numbers = #tpu.dot_dimension_numbers<[1], [0], [0], [1], [0, 0, 1, 1], [], []>, transpose_lhs_hint = false} : vector<1000x128xf32>, vector<128x128xf32>, vector<1000x128xf32> -> vector<1000x128xf32>
    %swap3A = arith.constant 0 : index
    %swap3A_6 = arith.constant 0 : index
    %swap3A_7 = vector.load %arg5[%swap3A, %swap3A_6] : memref<1000x128xf32, #tpu.memory_space<vmem>>, vector<1000x128xf32>
    tpu.vector_store %arg5[%swap3A, %swap3A_6], %dot_general3A_5 {strides = array<i32>} : memref<1000x128xf32, #tpu.memory_space<vmem>>, vector<1000x128xf32>,
    %get3A_8 = arith.constant 0 : index
    %get3A_9 = arith.constant 0 : index
    %get3A_10 = vector.load %arg1[%get3A_8, %get3A_9] : memref<1000x128xf32, #tpu.memory_space<vmem>>, vector<1000x128xf32>
    %get3A_11 = arith.constant 0 : index
    %get3A_12 = arith.constant 0 : index
    %get3A_13 = vector.load %arg3[%get3A_11, %get3A_12] : memref<128x128xf32, #tpu.memory_space<vmem>>, vector<128x128xf32>
    %dot_general3A_14 = arith.constant dense<0.000000e+00> : vector<1000x128xf32>
    %dot_general3A_15 = tpu.matmul %get3A_10, %get3A_13, %dot_general3A_14 {dimension_numbers = #tpu.dot_dimension_numbers<[1], [0], [0], [1], [0, 0, 1, 1], [], []>, transpose_lhs_hint = false} : vector<1000x128xf32>, vector<128x128xf32>, vector<1000x128xf32> -> vector<1000x128xf32>
    %swap3A_16 = arith.constant 0 : index
    %swap3A_17 = arith.constant 0 : index
    %swap3A_18 = vector.load %arg6[%swap3A_16, %swap3A_17] : memref<1000x128xf32, #tpu.memory_space<vmem>>, vector<1000x128xf32>
    tpu.vector_store %arg6[%swap3A_16, %swap3A_17], %dot_general3A_15 {strides = array<i32>} : memref<1000x128xf32, #tpu.memory_space<vmem>>, vector<1000x128xf32>,
    %get3A_19 = arith.constant 0 : index
    %get3A_20 = arith.constant 0 : index
    %get3A_21 = vector.load %arg4[%get3A_19, %get3A_20] : memref<128x128xf32, #tpu.memory_space<vmem>>, vector<128x128xf32>
    %dot_general3A_22 = arith.constant dense<0.000000e+00> : vector<1000x128xf32>
    %dot_general3A_23 = tpu.matmul %dot_general3A_5, %get3A_21, %dot_general3A_22 {dimension_numbers = #tpu.dot_dimension_numbers<[1], [0], [0], [1], [0, 0, 1, 1], [], []>, transpose_lhs_hint = false} : vector<1000x128xf32>, vector<128x128xf32>, vector<1000x128xf32> -> vector<1000x128xf32>
    %swap3A_24 = arith.constant 0 : index
    %swap3A_25 = arith.constant 0 : index
    %swap3A_26 = vector.load %arg7[%swap3A_24, %swap3A_25] : memref<1000x128xf32, #tpu.memory_space<vmem>>, vector<1000x128xf32>
    tpu.vector_store %arg7[%swap3A_24, %swap3A_25], %dot_general3A_23 {strides = array<i32>} : memref<1000x128xf32, #tpu.memory_space<vmem>>, vector<1000x128xf32>,
    return
  }
  func.func @transform_0(%arg0: i32) -> (i32, i32) {
    %c0_i32 = arith.constant 0 : i32
    %c0_i32_0 = arith.constant 0 : i32
    return %arg0, %c0_i32 : i32, i32
  }
  func.func @transform_1(%arg0: i32) -> (i32, i32) {
    %c0_i32 = arith.constant 0 : i32
    %c0_i32_0 = arith.constant 0 : i32
    %c0_i32_1 = arith.constant 0 : i32
    return %c0_i32, %c0_i32_0 : i32, i32
  }
  func.func @transform_2(%arg0: i32) -> (i32, i32) {
    %c0_i32 = arith.constant 0 : i32
    %c0_i32_0 = arith.constant 0 : i32
    %c0_i32_1 = arith.constant 0 : i32
    return %c0_i32, %c0_i32_0 : i32, i32
  }
  func.func @transform_3(%arg0: i32) -> (i32, i32) {
    %c0_i32 = arith.constant 0 : i32
    %c0_i32_0 = arith.constant 0 : i32
    %c0_i32_1 = arith.constant 0 : i32
    return %c0_i32, %c0_i32_0 : i32, i32
  }
  func.func @transform_4(%arg0: i32) -> (i32, i32) {
    %c0_i32 = arith.constant 0 : i32
    %c0_i32_0 = arith.constant 0 : i32
    return %arg0, %c0_i32 : i32, i32
  }
  func.func @transform_5(%arg0: i32) -> (i32, i32) {
    %c0_i32 = arith.constant 0 : i32
    %c0_i32_0 = arith.constant 0 : i32
    return %arg0, %c0_i32 : i32, i32
  }
  func.func @transform_6(%arg0: i32) -> (i32, i32) {
    %c0_i32 = arith.constant 0 : i32
    %c0_i32_0 = arith.constant 0 : i32
    return %arg0, %c0_i32 : i32, i32
  }
}

module attributes {stable_mosaic.version = 14 : i64} {
  func.func @_edge_body(%arg0: i32, %arg1: memref<2000x128xf32, #tpu.memory_space<vmem>>, %arg2: memref<2000x128xf32, #tpu.memory_space<vmem>>, %arg3: memref<2000x8xf32, #tpu.memory_space<vmem>>, %arg4: memref<128x128xf32, #tpu.memory_space<vmem>>, %arg5: memref<8x128xf32, #tpu.memory_space<vmem>>, %arg6: memref<2000x128xf32, #tpu.memory_space<vmem>>, %arg7: memref<2000x128xf32, #tpu.memory_space<vmem>>) attributes {dimension_semantics = [#tpu.dimension_semantics<arbitrary>], iteration_bounds = array<i64: 160>, scalar_prefetch = 0 : i64, scratch_operands = 0 : i64, tpu.core_type = #tpu.core_type<tc>, window_params = [{transform_indices = @transform_0, window_bounds = array<i64: 2000, 128>}, {transform_indices = @transform_1, window_bounds = array<i64: 2000, 128>}, {transform_indices = @transform_2, window_bounds = array<i64: 2000, 8>}, {pipeline_mode = #tpu.pipeline_mode<synchronous>, transform_indices = @transform_3, window_bounds = array<i64: 128, 128>}, {pipeline_mode = #tpu.pipeline_mode<synchronous>, transform_indices = @transform_4, window_bounds = array<i64: 8, 128>}, {transform_indices = @transform_5, window_bounds = array<i64: 2000, 128>}, {transform_indices = @transform_6, window_bounds = array<i64: 2000, 128>}]} {
    %get3A = arith.constant 0 : index
    %get3A_0 = arith.constant 0 : index
    %get3A_1 = vector.load %arg1[%get3A, %get3A_0] : memref<2000x128xf32, #tpu.memory_space<vmem>>, vector<2000x128xf32>
    %get3A_2 = arith.constant 0 : index
    %get3A_3 = arith.constant 0 : index
    %get3A_4 = vector.load %arg4[%get3A_2, %get3A_3] : memref<128x128xf32, #tpu.memory_space<vmem>>, vector<128x128xf32>
    %dot_general3A = arith.constant dense<0.000000e+00> : vector<2000x128xf32>
    %dot_general3A_5 = tpu.matmul %get3A_1, %get3A_4, %dot_general3A {dimension_numbers = #tpu.dot_dimension_numbers<[1], [0], [0], [1], [0, 0, 1, 1], [], []>, transpose_lhs_hint = false} : vector<2000x128xf32>, vector<128x128xf32>, vector<2000x128xf32> -> vector<2000x128xf32>
    %get3A_6 = arith.constant 0 : index
    %get3A_7 = arith.constant 0 : index
    %get3A_8 = vector.load %arg3[%get3A_6, %get3A_7] : memref<2000x8xf32, #tpu.memory_space<vmem>>, vector<2000x8xf32>
    %get3A_9 = arith.constant 0 : index
    %get3A_10 = arith.constant 0 : index
    %get3A_11 = vector.load %arg5[%get3A_9, %get3A_10] : memref<8x128xf32, #tpu.memory_space<vmem>>, vector<8x128xf32>
    %dot_general3A_12 = arith.constant dense<0.000000e+00> : vector<2000x128xf32>
    %dot_general3A_13 = tpu.matmul %get3A_8, %get3A_11, %dot_general3A_12 {dimension_numbers = #tpu.dot_dimension_numbers<[1], [0], [0], [1], [0, 0, 1, 1], [], []>, transpose_lhs_hint = false} : vector<2000x8xf32>, vector<8x128xf32>, vector<2000x128xf32> -> vector<2000x128xf32>
    %get3A_14 = arith.constant 0 : index
    %get3A_15 = arith.constant 0 : index
    %get3A_16 = vector.load %arg2[%get3A_14, %get3A_15] : memref<2000x128xf32, #tpu.memory_space<vmem>>, vector<2000x128xf32>
    %add3A = arith.addf %dot_general3A_5, %get3A_16 : vector<2000x128xf32>
    %mul3A = arith.mulf %dot_general3A_13, %add3A : vector<2000x128xf32>
    %ge3A = arith.constant 0.000000e+00 : f32
    %ge3A_17 = vector.broadcast %ge3A : f32 to vector<2000x128xf32>
    %ge3A_18 = arith.cmpf oge, %mul3A, %ge3A_17 : vector<2000x128xf32>
    %mul3A_19 = arith.constant 2.000000e-01 : f32
    %mul3A_20 = vector.broadcast %mul3A_19 : f32 to vector<2000x128xf32>
    %mul3A_21 = arith.mulf %mul3A_20, %mul3A : vector<2000x128xf32>
    %select_n3A = arith.select %ge3A_18, %mul3A, %mul3A_21 : vector<2000x128xi1>, vector<2000x128xf32>
    %exp3A = math.exp %select_n3A : vector<2000x128xf32>
    %swap3A = arith.constant 0 : index
    %swap3A_22 = arith.constant 0 : index
    %swap3A_23 = vector.load %arg6[%swap3A, %swap3A_22] : memref<2000x128xf32, #tpu.memory_space<vmem>>, vector<2000x128xf32>
    tpu.vector_store %arg6[%swap3A, %swap3A_22], %exp3A {strides = array<i32>} : memref<2000x128xf32, #tpu.memory_space<vmem>>, vector<2000x128xf32>,
    %get3A_24 = arith.constant 0 : index
    %get3A_25 = arith.constant 0 : index
    %get3A_26 = vector.load %arg1[%get3A_24, %get3A_25] : memref<2000x128xf32, #tpu.memory_space<vmem>>, vector<2000x128xf32>
    %mul3A_27 = arith.mulf %get3A_26, %exp3A : vector<2000x128xf32>
    %swap3A_28 = arith.constant 0 : index
    %swap3A_29 = arith.constant 0 : index
    %swap3A_30 = vector.load %arg7[%swap3A_28, %swap3A_29] : memref<2000x128xf32, #tpu.memory_space<vmem>>, vector<2000x128xf32>
    tpu.vector_store %arg7[%swap3A_28, %swap3A_29], %mul3A_27 {strides = array<i32>} : memref<2000x128xf32, #tpu.memory_space<vmem>>, vector<2000x128xf32>,
    return
  }
  func.func @transform_0(%arg0: i32) -> (i32, i32) {
    %c0_i32 = arith.constant 0 : i32
    %c0_i32_0 = arith.constant 0 : i32
    return %arg0, %c0_i32 : i32, i32
  }
  func.func @transform_1(%arg0: i32) -> (i32, i32) {
    %c0_i32 = arith.constant 0 : i32
    %c0_i32_0 = arith.constant 0 : i32
    return %arg0, %c0_i32 : i32, i32
  }
  func.func @transform_2(%arg0: i32) -> (i32, i32) {
    %c0_i32 = arith.constant 0 : i32
    %c0_i32_0 = arith.constant 0 : i32
    return %arg0, %c0_i32 : i32, i32
  }
  func.func @transform_3(%arg0: i32) -> (i32, i32) {
    %c0_i32 = arith.constant 0 : i32
    %c0_i32_0 = arith.constant 0 : i32
    %c0_i32_1 = arith.constant 0 : i32
    return %c0_i32, %c0_i32_0 : i32, i32
  }
  func.func @transform_4(%arg0: i32) -> (i32, i32) {
    %c0_i32 = arith.constant 0 : i32
    %c0_i32_0 = arith.constant 0 : i32
    %c0_i32_1 = arith.constant 0 : i32
    return %c0_i32, %c0_i32_0 : i32, i32
  }
  func.func @transform_5(%arg0: i32) -> (i32, i32) {
    %c0_i32 = arith.constant 0 : i32
    %c0_i32_0 = arith.constant 0 : i32
    return %arg0, %c0_i32 : i32, i32
  }
  func.func @transform_6(%arg0: i32) -> (i32, i32) {
    %c0_i32 = arith.constant 0 : i32
    %c0_i32_0 = arith.constant 0 : i32
    return %arg0, %c0_i32 : i32, i32
  }
}

module attributes {stable_mosaic.version = 14 : i64} {
  func.func @_final_body(%arg0: i32, %arg1: memref<2x1000x128xf32, #tpu.memory_space<vmem>>, %arg2: memref<2x1000x128xf32, #tpu.memory_space<vmem>>, %arg3: memref<1000x128xf32, #tpu.memory_space<vmem>>, %arg4: memref<1000x128xf32, #tpu.memory_space<vmem>>) attributes {dimension_semantics = [#tpu.dimension_semantics<arbitrary>], iteration_bounds = array<i64: 10>, scalar_prefetch = 0 : i64, scratch_operands = 0 : i64, tpu.core_type = #tpu.core_type<tc>, window_params = [{transform_indices = @transform_0, window_bounds = array<i64: 2, 1000, 128>}, {transform_indices = @transform_1, window_bounds = array<i64: 2, 1000, 128>}, {transform_indices = @transform_2, window_bounds = array<i64: 1000, 128>}, {transform_indices = @transform_3, window_bounds = array<i64: 1000, 128>}]} {
    %get3A = arith.constant 0 : index
    %get3A_0 = arith.constant 0 : index
    %get3A_1 = arith.constant 0 : index
    %get3A_2 = vector.load %arg2[%get3A, %get3A_0, %get3A_1] : memref<2x1000x128xf32, #tpu.memory_space<vmem>>, vector<2x1000x128xf32>
    %reduce_sum3A = arith.constant dense<0.000000e+00> : vector<1000x128xf32>
    %reduce_sum3A_3 = vector.multi_reduction <add>, %get3A_2, %reduce_sum3A [0] : vector<2x1000x128xf32> to vector<1000x128xf32>
    %add3A = arith.constant 1.000000e-16 : f32
    %add3A_4 = vector.broadcast %add3A : f32 to vector<1000x128xf32>
    %add3A_5 = arith.addf %reduce_sum3A_3, %add3A_4 : vector<1000x128xf32>
    %get3A_6 = arith.constant 0 : index
    %get3A_7 = arith.constant 0 : index
    %get3A_8 = arith.constant 0 : index
    %get3A_9 = vector.load %arg1[%get3A_6, %get3A_7, %get3A_8] : memref<2x1000x128xf32, #tpu.memory_space<vmem>>, vector<2x1000x128xf32>
    %reduce_sum3A_10 = arith.constant dense<0.000000e+00> : vector<1000x128xf32>
    %reduce_sum3A_11 = vector.multi_reduction <add>, %get3A_9, %reduce_sum3A_10 [0] : vector<2x1000x128xf32> to vector<1000x128xf32>
    %div3A = arith.divf %reduce_sum3A_11, %add3A_5 : vector<1000x128xf32>
    %gt3A = arith.constant 0.000000e+00 : f32
    %gt3A_12 = vector.broadcast %gt3A : f32 to vector<1000x128xf32>
    %gt3A_13 = arith.cmpf ogt, %div3A, %gt3A_12 : vector<1000x128xf32>
    %exp3A = math.exp %div3A : vector<1000x128xf32>
    %sub3A = arith.constant 1.000000e+00 : f32
    %sub3A_14 = vector.broadcast %sub3A : f32 to vector<1000x128xf32>
    %sub3A_15 = arith.subf %exp3A, %sub3A_14 : vector<1000x128xf32>
    %select_n3A = arith.select %gt3A_13, %div3A, %sub3A_15 : vector<1000x128xi1>, vector<1000x128xf32>
    %get3A_16 = arith.constant 0 : index
    %get3A_17 = arith.constant 0 : index
    %get3A_18 = vector.load %arg3[%get3A_16, %get3A_17] : memref<1000x128xf32, #tpu.memory_space<vmem>>, vector<1000x128xf32>
    %add3A_19 = arith.addf %select_n3A, %get3A_18 : vector<1000x128xf32>
    %swap3A = arith.constant 0 : index
    %swap3A_20 = arith.constant 0 : index
    %swap3A_21 = vector.load %arg4[%swap3A, %swap3A_20] : memref<1000x128xf32, #tpu.memory_space<vmem>>, vector<1000x128xf32>
    tpu.vector_store %arg4[%swap3A, %swap3A_20], %add3A_19 {strides = array<i32>} : memref<1000x128xf32, #tpu.memory_space<vmem>>, vector<1000x128xf32>,
    return
  }
  func.func @transform_0(%arg0: i32) -> (i32, i32, i32) {
    %c0_i32 = arith.constant 0 : i32
    %c0_i32_0 = arith.constant 0 : i32
    %c0_i32_1 = arith.constant 0 : i32
    return %c0_i32, %arg0, %c0_i32_0 : i32, i32, i32
  }
  func.func @transform_1(%arg0: i32) -> (i32, i32, i32) {
    %c0_i32 = arith.constant 0 : i32
    %c0_i32_0 = arith.constant 0 : i32
    %c0_i32_1 = arith.constant 0 : i32
    return %c0_i32, %arg0, %c0_i32_0 : i32, i32, i32
  }
  func.func @transform_2(%arg0: i32) -> (i32, i32) {
    %c0_i32 = arith.constant 0 : i32
    %c0_i32_0 = arith.constant 0 : i32
    return %arg0, %c0_i32 : i32, i32
  }
  func.func @transform_3(%arg0: i32) -> (i32, i32) {
    %c0_i32 = arith.constant 0 : i32
    %c0_i32_0 = arith.constant 0 : i32
    return %arg0, %c0_i32 : i32, i32
  }
}

</mosaic_0001>

<sc_bundles>
// kernel: kernel.10.cloned.1.call-start
scs
__scs_entry_jumppad:
0x0: {  	(pc) =	sbr.rel $0x88, $3  }
0x1: {  	(tag) =	ssettag $0x0;
	lr =	simm.s32 $0x1  }
0x2: {  	[smem:$0x3F9A] =	sst lr;
	_ =	strace $0xD0000000  }
0x3: {  	_ = 	snop  }
0x4: {  	_ = 	snop  }
0x5: {  	_ = 	snop  }
0x6: {  	_ = 	snop  }
0x7: {  	_ = 	snop  }
__scs_overlays_trampoline_lowered:
0x8: {  	[smem:$0x3FA9] =	sst s0  }
0x9: {  	[smem:$0x3FAA] =	sst s1  }
0xa: {  	[smem:$0x3FAB] =	sst s2  }
0xb: {  	[smem:$0x3FAC] =	sst s3  }
0xc: {  	[smem:$0x3FAD] =	sst s4  }
0xd: {  	[smem:$0x3FAE] =	sst s5  }
0xe: {  	[smem:$0x3FAF] =	sst s6  }
0xf: {  	[smem:$0x3FB0] =	sst s7  }
0x10: {  	[smem:$0x3FB1] =	sst s8  }
0x11: {  	[smem:$0x3FB2] =	sst s9;
	s0 =	simm.s32 @!p0 $0x0  }
0x12: {  	s1 =	sld [smem:$0x3F98];
	s0 =	simm.s32 @p0 $0x1  }
0x13: {  	[smem:$0x3FB3] =	sst s0;
	s0 =	simm.s32 @!p1 $0x0  }
0x14: {  	s2 =	sld [smem:$0x3F97];
	s0 =	simm.s32 @p1 $0x1  }
0x15: {  	[smem:$0x3FB4] =	sst s0;
	s0 =	simm.s32 @!p2 $0x0  }
0x16: {  	s3 =	sld [smem:$0x3FDB];
	s0 =	simm.s32 @p2 $0x1  }
0x17: {  	s4 =	simm.s32 $0x1BF5;
	[smem:$0x3FB6] =	sst s0  }
0x18: {  	s0 =	sld [smem:$0x3F99];
	_ =	swait.ge [sflag:s4], $0x0  }
0x19: {  	s7 =	sld [smem:$0x3F9A]  }
0x1a: {  	s8 =	sadd.s32 $0xFFFFE003, lr  }
0x1b: {  	s9 =	sadd.s32 $0xFFFFFEF7, lr;
	s5 =	simm.s32 $0xFFFFFFFF;
	p2 =	slt.u32 s8, $0xFFFFF086  }
0x1c: {  	p1 =	slt.u32 s9, $0xF7A;
	s5 =	simm.s32 @!p2 $0x0  }
0x1d: {  	s5 =	simm.s32 @p1 $0x1;
	p0 =	seq.s32 s7, s2  }
0x1e: {  	s7 =	smul.u32 @!p0 $0xF7A, s2;
	p2 =	seq.s32 @!p0 s5, $0x0  }
0x1f: {  	s9 =	smul.u32 $0xF7A, s1;
	s8 =	simm.s32 @!p0 $0x1BF5;
	p2 =	por !p2, p0  }
0x20: {  	[sflag:s8] =	ssyncset.s32 @!p0 $0xFFFFF086;
	s6 =	sadd.s32 @!p0 s3, s7;
	s7 =	simm.s32 @!p0 $0x108  }
0x21: {  	s3 =	sadd.s32 s3, s9;
	s6 =	sadd.s32 @!p0 $0x88, s6;
	s7 =	simm.s32 @p2 $0x1082  }
0x22: {  	[simem:s7], [sflag:s8] =	dma.local @!p0 [hbm:s6], $0xF7A  }
0x23: {  	s9 =	sor.u32 $0xD0000000, s2;
	s6 =	simm.s32 $0x108;
	_ =	swait.ge @!p0 [sflag:s8], $0x0  }
0x24: {  	s3 =	sadd.s32 $0x88, s3;
	s6 =	simm.s32 @!p1 $0x1082;
	[sflag:s4] =	ssyncset.s32 $0xFFFFF086  }
0x25: {  	[simem:s6], [sflag:s4] =	dma.local [hbm:s3], $0xF7A  }
0x26: {  	[smem:$0x3F9A] =	sst s1;
	(tag) =	ssettag s2;
	_ =	strace s9  }
0x27: {  	s1 =	sld [smem:$0x3FAA]  }
0x28: {  	s2 =	sld [smem:$0x3FAB]  }
0x29: {  	s4 =	sld [smem:$0x3FAD]  }
0x2a: {  	p0 =	seq.s32 s5, $0x0;
	s5 =	sld [smem:$0x3FAE]  }
0x2b: {  	s6 =	sld [smem:$0x3FAF]  }
0x2c: {  	s7 =	sld [smem:$0x3FB0]  }
0x2d: {  	s3 =	simm.s32 $0x108;
	s8 =	sld [smem:$0x3FB1]  }
0x2e: {  	s3 =	simm.s32 @!p0 $0x1082;
	s9 =	sld [smem:$0x3FB2]  }
0x2f: {  	lr =	sadd.s32 s0, s3;
	s0 =	sld [smem:$0x3FA9]  }
0x30: {  	s3 =	sld [smem:$0x3FAC]  }
0x31: {  	[smem:$0x3FB5] =	sst s10  }
0x32: {  	s10 =	sld [smem:$0x3FB3];
	_ =	sdelay $0x3  }
0x33: {  	p0 =	seq.s32 s10, $0x1;
	s10 =	sld [smem:$0x3FB5];
	_ =	sdelay $0x3  }
0x34: {  	[smem:$0x3FB5] =	sst s10  }
0x35: {  	s10 =	sld [smem:$0x3FB4];
	_ =	sdelay $0x3  }
0x36: {  	p1 =	seq.s32 s10, $0x1;
	s10 =	sld [smem:$0x3FB5];
	_ =	sdelay $0x3  }
0x37: {  	[smem:$0x3FB5] =	sst s10  }
0x38: {  	s10 =	sld [smem:$0x3FB6]  }
0x39: {  	_ = 	snop;
	(pc) =	sbr.ind lr, $3  }
0x3a: {  	_ = 	snop  }
0x3b: {  	_ = 	snop  }
0x3c: {  	p2 =	seq.s32 s10, $0x1;
	s10 =	sld [smem:$0x3FB5]  }
0x3d: {  	_ =	shalt  }
0x3e: {  	_ =	shalt  }
0x3f: {  	_ =	shalt  }
0x40: {  	_ =	shalt  }
0x41: {  	_ =	shalt  }
0x42: {  	_ =	shalt  }
0x43: {  	_ =	shalt  }
0x44: {  	_ =	shalt  }
0x45: {  	_ =	shalt  }
0x46: {  	_ =	shalt  }
0x47: {  	_ =	shalt  }
0x48: {  	_ =	shalt  }
0x49: {  	_ =	shalt  }
0x4a: {  	_ =	shalt  }
0x4b: {  	_ =	shalt  }
0x4c: {  	_ =	shalt  }
0x4d: {  	_ =	shalt  }
0x4e: {  	_ =	shalt  }
0x4f: {  	_ =	shalt  }
0x50: {  	_ =	shalt  }
0x51: {  	_ =	shalt  }
0x52: {  	_ =	shalt  }
0x53: {  	_ =	shalt  }
0x54: {  	_ =	shalt  }
0x55: {  	_ =	shalt  }
0x56: {  	_ =	shalt  }
0x57: {  	_ =	shalt  }
0x58: {  	_ =	shalt  }
0x59: {  	_ =	shalt  }
0x5a: {  	_ =	shalt  }
0x5b: {  	_ =	shalt  }
0x5c: {  	_ =	shalt  }
0x5d: {  	_ =	shalt  }
0x5e: {  	_ =	shalt  }
0x5f: {  	_ =	shalt  }
0x60: {  	_ =	shalt  }
0x61: {  	_ =	shalt  }
0x62: {  	_ =	shalt  }
0x63: {  	_ =	shalt  }
0x64: {  	_ =	shalt  }
0x65: {  	_ =	shalt  }
0x66: {  	_ =	shalt  }
0x67: {  	_ =	shalt  }
0x68: {  	_ =	shalt  }
0x69: {  	_ =	shalt  }
0x6a: {  	_ =	shalt  }
0x6b: {  	_ =	shalt  }
0x6c: {  	_ =	shalt  }
0x6d: {  	_ =	shalt  }
0x6e: {  	_ =	shalt  }
0x6f: {  	_ =	shalt  }
0x70: {  	_ =	shalt  }
0x71: {  	_ =	shalt  }
0x72: {  	_ =	shalt  }
0x73: {  	_ =	shalt  }
0x74: {  	_ =	shalt  }
0x75: {  	_ =	shalt  }
0x76: {  	_ =	shalt  }
0x77: {  	_ =	shalt  }
0x78: {  	_ =	shalt  }
0x79: {  	_ =	shalt  }
0x7a: {  	_ =	shalt  }
0x7b: {  	_ =	shalt  }
0x7c: {  	_ =	shalt  }
0x7d: {  	_ =	shalt  }
0x7e: {  	_ =	shalt  }
0x7f: {  	_ =	shalt  }
0x80: {  	_ =	shalt  }
0x81: {  	_ =	shalt  }
0x82: {  	_ =	shalt  }
0x83: {  	_ =	shalt  }
0x84: {  	_ =	shalt  }
0x85: {  	_ =	shalt  }
0x86: {  	_ =	shalt  }
0x87: {  	_ =	shalt  }
.Lfunc_end0:
.L_simem_size_0:
called_computation.1_lowered:
.L_overlay_start_0:
0x88: {  	s2 =	sld [smem:$0x3FD9]  }
0x89: {  	s3 =	sld [smem:$0x3FFE];
	_ =	sdelay $0x1  }
0x8a: {  	s1 =	srdreg.scid  }
0x8b: {  	s0 =	sand.u32 $0x1, s1  }
0x8c: {  	s17 =	sshll.u32 s0, $0xA;
	s2 =	sadd.s32 s3, s2  }
0x8d: {  	s2 =	sadd.s32 s2, s17  }
0x8e: {  	[smem:$0x3FC1] =	sst s2  }
0x8f: {  	_ = 	snop  }
0x90: {  	s2 =	sld [smem:$0x3FD0];
	(tm) =	ssettm $0x1  }
0x91: {  	s18 =	sld [smem:$0x3FFB];
	_ =	sdelay $0x3  }
0x92: {  	_ =	strace s18  }
0x93: {  	s3 =	sld [smem:$0x3FFC];
	_ =	sdelay $0x3  }
0x94: {  	_ =	strace s3  }
0x95: {  	s3 =	sld [smem:$0x3FFD];
	_ =	sdelay $0x3  }
0x96: {  	_ =	strace s3  }
0x97: {  	_ =	strace $0x8FFFFFFF  }
0x98: {  	s19 =	sld [smem:$0x3FDB];
	_ =	sdelay $0x1  }
0x99: {  	s4 =	simm.s32 $_scs_section_size  }
0x9a: {  	s5 =	simm.s32 $_size__tile_overlayer_lowered;
	s6 =	simm.s32 $_tile_overlayer_lowered  }
0x9b: {  	s22 =	simm.s32 $0x1BFF;
	s21 =	sshll.u32 s6, $0x1;
	s3 =	sadd.s32 s4, s19  }
0x9c: {  	s7 =	simm.s32 $0x0;
	s20 =	sshll.u32 s5, $0x1;
	s5 =	sadd.s32 s21, s3  }
0x9d: {  	[timem:s7], [sflag:s22] =	dma.local [hbm:s5], s20  }
0x9e: {  	_ =	swait.ge [sflag:s22], s20  }
0x9f: {  	s4 =	ssub.s32 $0x0, s20;
	[sflag:s22] =	ssyncset.done $0x0  }
0xa0: {  	[sflag:s22] =	ssyncadd.s32 s4;
	_ =	sdelay $0x1  }
0xa1: {  	s23 =	simm.s32 $0x1B8B  }
0xa2: {  	_ =	swait.ge [sflag:s23], $0x1  }
0xa3: {  	[sflag:s23] =	ssyncset.done $0x0  }
0xa4: {  	s25 =	simm.s32 $0x1B8E;
	s24 =	sld [smem:$0x3FFE];
	[sflag:s23] =	ssyncadd.s32 $0xFFFFFFFF  }
0xa5: {  	s26 =	simm.s32 $execute0_lowered;
	[smem:$0x3FD2] =	sst s25  }
0xa6: {  	s5 =	sshll.u32 s26, $0x1;
	_ =	strace $0x80000049;
	[dreg:$0x1] =	wrdreg $0xFFFFFFFF  }
0xa7: {  	s28 =	simm.s32 $_size_execute0_lowered;
	s3 =	sadd.s32 s3, s5;
	[dreg:$0x0] =	wrdreg $0x0  }
0xa8: {  	s5 =	sshll.u32 s28, $0x1;
	[dreg:$0x2] =	wrdreg s3  }
0xa9: {  	[dreg:$0x3] =	wrdreg s5  }
0xaa: {  	[dreg:$0x4] =	wrdreg $0xC0  }
0xab: {  	_ =	task [dreg:s7], $0x5FFFF  }
0xac: {  	[dreg:$0x1] =	wrdreg $0xFFFFFFFF  }
0xad: {  	[dreg:$0x0] =	wrdreg $0x60  }
0xae: {  	[dreg:$0x2] =	wrdreg s24  }
0xaf: {  	[dreg:$0x3] =	wrdreg s2  }
0xb0: {  	[dreg:$0x4] =	wrdreg $0x0  }
0xb1: {  	[dreg:$0x5] =	wrdreg $0x9  }
0xb2: {  	_ =	task.clear_ibuf [dreg:s7], $0x6FFFF;
	_ =	strace $0x90000049  }
0xb3: {  	s29 =	simm.s32 $0x9;
	_ =	strace $0x8000004B  }
0xb4: {  	_ =	swait.ge [sflag:s29], $0x1  }
0xb5: {  	[sflag:s29] =	ssyncadd.s32 $0xFFFFFFFF  }
0xb6: {  	_ =	strace $0x9000004B  }
0xb7: {  	_ =	sfence  }
0xb8: {  	s30 =	sld [smem:$0x0];
	_ =	sdelay $0x2  }
0xb9: {  	s31 =	sshll.u32 s1, $0xD;
	s1 =	sshrl.u32 s1, $0x2  }
0xba: {  	s3 =	sand.u32 $0x4000, s31;
	s1 =	sadd.s32 s1, s30  }
0xbb: {  	s0 =	sor.u32 s3, s0;
	s1 =	sshll.u32 s1, $0x11  }
0xbc: {  	s0 =	sor.u32 s1, s0  }
0xbd: {  	s0 =	sadd.s32 $0x8F2B, s0  }
0xbe: {  	[sflag:s0] =	ssyncadd.remote.s32 $0x1  }
0xbf: {  	_ =	sfence.sel $0xFFFF  }
0xc0: {  	[dreg:$0x0] =	wrdreg $0xFFFFFFFF;
	(pc) =	sbr.abs _section_cstart, $3  }
0xc1: {  	[dreg:$0x1] =	wrdreg $0xFFFFFFFF  }
0xc2: {  	_ =	task.clear_ibuf [dreg:s7], $0x2FFFF;
	_ =	strace $0x9FFFFFFF  }
0xc3: {  	(tm) =	ssettm $0x7FFFFFFF  }
tec
execute0_lowered:
.L_overlay_start_1:
0x0: {  	(tag) =	ssettag $0x1  }
0x1: {  	s4 =	rddreg [dreg:$0x0]  }
0x2: {  	s1 =	rddreg [dreg:$0x1]  }
0x3: {  	s2 =	rddreg [dreg:$0x2]  }
0x4: {  	s0 =	rddreg [dreg:$0x3];
	s3 =	simm.s32 $0x0;
	s5 =	srdreg.scid  }
0x5: {  	s9 =	stileid.u32;
	[smem:$0x7FF] =	sst s3;
	s10 =	sand.u32 $0x1, s5  }
0x6: {  	s29 =	sshll.u32 s9, $0xC;
	s30 =	sshll.u32 s9, $0x5;
	s11 =	sshll.u32 s9, $0x1  }
0x7: {  	p0 =	sne.s32 s9, $0x0;
	_ =	strace $0x8000004A;
	s6 =	smul.u32 $0x27100, s10  }
0x8: {  	s7 =	sadd.s32 s29, s4;
	s8 =	ssub.s32 $0x2, s10;
	s5 =	sadd.s32 s30, s4  }
0x9: {  	s12 =	sshll.u32 s10, $0x4;
	s13 =	sshll.u32 s10, $0xB;
	s9 =	sor.u32 s10, s11  }
0xa: {  	s11 =	sshrl.u32 @!p0 s2, $0x3;
	s31 =	sshrl.u32 s8, $0x1;
	s12 =	sadd.s32 s12, s5  }
0xb: {  	s13 =	sadd.s32 s13, s7;
	s6 =	sadd.s32 s6, s4;
	s8 =	ssub.s32 s8, s31  }
0xc: {  	s7 =	sadd.s32 $0xBE00, s12;
	s10 =	sadd.s32 $0xF0A000, s13;
	s4 =	sadd.s32 $0x64000, s6  }
0xd: {  	s5 =	sadd.s32 $0xB2200, s6;
	s6 =	smax.u32 s8, $0x1;
	s8 =	sadd.s32 $0x13EC000, s13  }
.LBB2_1:
0xe: {  	s12 =	simm.s32 @!p0 $0x1C01  }
0xf: {  	[spmem:s11], [sflag:s12] =	dma.local @!p0 [hbm:s1], $0x27100  }
0x10: {  	s12 =	simm.s32 @!p0 $0x1  }
0x11: {  	s30 =	sadd.s32 $0x0, s9;
	_ =	swait.ge @!p0 [sflag:s12], $0x27100  }
0x12: {  	p1 =	sgt.u32 s30, $0x9C3;
	[sflag:s12] =	ssyncset.done @!p0 $0x0  }
0x13: {  	s14 =	simm.s32 @!p1 $0x13880;
	[sflag:s12] =	ssyncadd.s32 @!p0 $0xFFFD8F00  }
0x14: {  	s15 =	simm.s32 @!p1 $0x2;
	s12 =	simm.s32 @!p1 $0x0;
	[bflag:$0x0] =	sbarrier.arrive $0xFFFF  }
0x15: {  	[tilespmem:s14], [sflag:$0x2] =	stream.linear.gather @!p1 [hbm4b:s7+s12], $0x80, $0x38;
	[tilespmem:$0x17900] =	vst v63  }
0x16: {  	_ =	swait.ge @!p1 [sflag:s15], $0x80;
	p1 =	por p1, p1  }
0x17: {  	[sflag:s15] =	ssyncset.done @!p1 $0x0  }
0x18: {  	s16 =	simm.s32 @!p1 $0x13900;
	[sflag:s15] =	ssyncadd.s32 @!p1 $0xFFFFFF80  }
0x19: {  	[tilespmem:s16], [sflag:$0x2] =	stream.linear.gather @!p1 [hbm4b:s8+s12], $0x4000, $0x38;
	[tilespmem:$0x17900] =	vst v63  }
0x1a: {  	s31 =	sadd.s32 $0x20, s9;
	_ =	swait.ge @!p1 [sflag:s15], $0x4000  }
0x1b: {  	s13 =	simm.s32 $0x40;
	p2 =	sgt.u32 s31, $0x9C3;
	[sflag:s15] =	ssyncset.done @!p1 $0x0  }
0x1c: {  	s12 =	simm.s32 @!p1 $0x80;
	[sflag:s15] =	ssyncadd.s32 @!p1 $0xFFFFC000;
	s15 =	simm.s32 @!p1 $0x1  }
0x1d: {  	[spmem:s2] =	stream.indirect.scatter.add.f32 @!p1 [tilespmem:s16], [sflag:$0x1], $0x80, s14, s12, $0xb8;
	[tilespmem:$0x17900] =	vst v63  }
0x1e: {  	s12 =	sadd.s32 $0x10000, s8;
	s14 =	sadd.s32 $0x200, s7;
	_ =	swait.ge @!p1 [sflag:s15], $0x4000  }
.LBB2_2:
0x1f: {  	s16 =	simm.s32 @!p2 $0x0  }
0x20: {  	s17 =	simm.s32 @!p2 $0x13880;
	[sflag:s15] =	ssyncset.done @!p1 $0x0;
	s18 =	smov.u32 s13  }
0x21: {  	s13 =	sadd.s32 $0x20, s13;
	s19 =	simm.s32 @!p2 $0x2;
	[sflag:s15] =	ssyncadd.s32 @!p1 $0xFFFFC000  }
0x22: {  	[tilespmem:s17], [sflag:$0x2] =	stream.linear.gather @!p2 [hbm4b:s14+s16], $0x80, $0x38;
	[tilespmem:$0x17900] =	vst v63  }
0x23: {  	p3 =	sne.s32 s13, $0x9E0;
	p1 =	por p2, p2;
	_ =	swait.ge @!p2 [sflag:s19], $0x80  }
0x24: {  	[sflag:s19] =	ssyncset.done @!p1 $0x0  }
0x25: {  	s20 =	simm.s32 @!p1 $0x13900;
	[sflag:s19] =	ssyncadd.s32 @!p1 $0xFFFFFF80  }
0x26: {  	[tilespmem:s20], [sflag:$0x2] =	stream.linear.gather @!p1 [hbm4b:s12+s16], $0x4000, $0x38;
	[tilespmem:$0x17900] =	vst v63  }
.Ltmp0:
0x27: {  	_ =	swait.ge @!p1 [sflag:s19], $0x4000;
	(pc) =	sbr.rel @p3 .LBB2_2-.Ltmp0, $4  }
0x28: {  	s15 =	simm.s32 @!p1 $0x1;
	s12 =	sadd.s32 $0x10000, s12;
	[sflag:s19] =	ssyncset.done @!p1 $0x0  }
0x29: {  	s16 =	sadd.s32 s18, s9;
	s18 =	simm.s32 @!p1 $0x80;
	[sflag:s19] =	ssyncadd.s32 @!p1 $0xFFFFC000  }
0x2a: {  	[spmem:s2] =	stream.indirect.scatter.add.f32 @!p1 [tilespmem:s20], [sflag:$0x1], $0x80, s17, s18, $0xb8;
	[tilespmem:$0x17900] =	vst v63  }
0x2b: {  	s14 =	sadd.s32 $0x200, s14;
	p2 =	sgt.u32 s16, $0x9C3;
	_ =	swait.ge @!p1 [sflag:s15], $0x4000  }
0x2c: {  	s13 =	simm.s32 @!p2 $0x0;
	[sflag:s15] =	ssyncset.done @!p1 $0x0  }
0x2d: {  	s16 =	simm.s32 @!p2 $0x13880;
	s17 =	simm.s32 @!p2 $0x2;
	[sflag:s15] =	ssyncadd.s32 @!p1 $0xFFFFC000  }
0x2e: {  	[tilespmem:s16], [sflag:$0x2] =	stream.linear.gather @!p2 [hbm4b:s14+s13], $0x80, $0x38;
	[tilespmem:$0x17900] =	vst v63  }
0x2f: {  	p1 =	por p2, p2;
	_ =	swait.ge @!p2 [sflag:s17], $0x80  }
0x30: {  	[sflag:s17] =	ssyncset.done @!p1 $0x0  }
0x31: {  	s14 =	simm.s32 @!p1 $0x13900;
	[sflag:s17] =	ssyncadd.s32 @!p1 $0xFFFFFF80  }
0x32: {  	[tilespmem:s14], [sflag:$0x2] =	stream.linear.gather @!p1 [hbm4b:s12+s13], $0x4000, $0x38;
	[tilespmem:$0x17900] =	vst v63  }
0x33: {  	_ =	swait.ge @!p1 [sflag:s17], $0x4000  }
0x34: {  	[sflag:s17] =	ssyncset.done @!p1 $0x0  }
0x35: {  	s12 =	simm.s32 @!p1 $0x1;
	s13 =	simm.s32 @!p1 $0x80;
	[sflag:s17] =	ssyncadd.s32 @!p1 $0xFFFFC000  }
0x36: {  	[spmem:s2] =	stream.indirect.scatter.add.f32 @!p1 [tilespmem:s14], [sflag:$0x1], $0x80, s16, s13, $0xb8;
	[tilespmem:$0x17900] =	vst v63  }
0x37: {  	_ =	swait.ge @!p1 [sflag:s12], $0x4000  }
0x38: {  	[sflag:s12] =	ssyncset.done @!p1 $0x0  }
0x39: {  	[sflag:s12] =	ssyncadd.s32 @!p1 $0xFFFFC000  }
0x3a: {  	[bflag:$0x0] =	sbarrier.arrive $0xFFFF  }
0x3b: {  	s13 =	simm.s32 @!p0 $0x1;
	s12 =	simm.s32 @!p0 $0x1C01;
	[bflag:$0x0] =	sbarrier.arrive @p0 $0xFFFF  }
0x3c: {  	[hbm:s4], [sflag:s12] =	dma.local @!p0 [spmem:s11], $0x27100  }
0x3d: {  	_ =	swait.ge @!p0 [sflag:s13], $0x27100  }
0x3e: {  	[sflag:s13] =	ssyncset.done @!p0 $0x0  }
0x3f: {  	[sflag:s13] =	ssyncadd.s32 @!p0 $0xFFFD8F00  }
0x40: {  	[bflag:$0x0] =	sbarrier.arrive @!p0 $0xFFFF  }
0x41: {  	[spmem:s11], [sflag:s12] =	dma.local @!p0 [hbm:s1], $0x27100  }
0x42: {  	s30 =	sadd.s32 $0x0, s9;
	_ =	swait.ge @!p0 [sflag:s13], $0x27100  }
0x43: {  	p1 =	sgt.u32 s30, $0x9C3;
	[sflag:s13] =	ssyncset.done @!p0 $0x0  }
0x44: {  	s14 =	simm.s32 @!p1 $0x13880;
	[sflag:s13] =	ssyncadd.s32 @!p0 $0xFFFD8F00  }
0x45: {  	s15 =	simm.s32 @!p1 $0x2;
	s12 =	simm.s32 @!p1 $0x0;
	[bflag:$0x0] =	sbarrier.arrive $0xFFFF  }
0x46: {  	[tilespmem:s14], [sflag:$0x2] =	stream.linear.gather @!p1 [hbm4b:s7+s12], $0x80, $0x38;
	[tilespmem:$0x17900] =	vst v63  }
0x47: {  	_ =	swait.ge @!p1 [sflag:s15], $0x80;
	p1 =	por p1, p1  }
0x48: {  	[sflag:s15] =	ssyncset.done @!p1 $0x0  }
0x49: {  	s16 =	simm.s32 @!p1 $0x13900;
	[sflag:s15] =	ssyncadd.s32 @!p1 $0xFFFFFF80  }
0x4a: {  	[tilespmem:s16], [sflag:$0x2] =	stream.linear.gather @!p1 [hbm4b:s10+s12], $0x4000, $0x38;
	[tilespmem:$0x17900] =	vst v63  }
0x4b: {  	s31 =	sadd.s32 $0x20, s9;
	_ =	swait.ge @!p1 [sflag:s15], $0x4000  }
0x4c: {  	p2 =	sgt.u32 s31, $0x9C3;
	s13 =	simm.s32 $0x40;
	[sflag:s15] =	ssyncset.done @!p1 $0x0  }
0x4d: {  	s12 =	simm.s32 @!p1 $0x80;
	[sflag:s15] =	ssyncadd.s32 @!p1 $0xFFFFC000;
	s15 =	simm.s32 @!p1 $0x1  }
0x4e: {  	[spmem:s2] =	stream.indirect.scatter.add.f32 @!p1 [tilespmem:s16], [sflag:$0x1], $0x80, s14, s12, $0xb8;
	[tilespmem:$0x17900] =	vst v63  }
0x4f: {  	s12 =	sadd.s32 $0x10000, s10;
	s14 =	sadd.s32 $0x200, s7;
	_ =	swait.ge @!p1 [sflag:s15], $0x4000  }
.LBB2_4:
0x50: {  	s16 =	simm.s32 @!p2 $0x0  }
0x51: {  	s17 =	simm.s32 @!p2 $0x13880;
	[sflag:s15] =	ssyncset.done @!p1 $0x0;
	s18 =	smov.u32 s13  }
0x52: {  	s13 =	sadd.s32 $0x20, s13;
	s19 =	simm.s32 @!p2 $0x2;
	[sflag:s15] =	ssyncadd.s32 @!p1 $0xFFFFC000  }
0x53: {  	[tilespmem:s17], [sflag:$0x2] =	stream.linear.gather @!p2 [hbm4b:s14+s16], $0x80, $0x38;
	[tilespmem:$0x17900] =	vst v63  }
0x54: {  	p3 =	sne.s32 s13, $0x9E0;
	p1 =	por p2, p2;
	_ =	swait.ge @!p2 [sflag:s19], $0x80  }
0x55: {  	[sflag:s19] =	ssyncset.done @!p1 $0x0  }
0x56: {  	s20 =	simm.s32 @!p1 $0x13900;
	[sflag:s19] =	ssyncadd.s32 @!p1 $0xFFFFFF80  }
0x57: {  	[tilespmem:s20], [sflag:$0x2] =	stream.linear.gather @!p1 [hbm4b:s12+s16], $0x4000, $0x38;
	[tilespmem:$0x17900] =	vst v63  }
.Ltmp1:
0x58: {  	_ =	swait.ge @!p1 [sflag:s19], $0x4000;
	(pc) =	sbr.rel @p3 .LBB2_4-.Ltmp1, $4  }
0x59: {  	s15 =	simm.s32 @!p1 $0x1;
	s12 =	sadd.s32 $0x10000, s12;
	[sflag:s19] =	ssyncset.done @!p1 $0x0  }
0x5a: {  	s16 =	sadd.s32 s18, s9;
	s18 =	simm.s32 @!p1 $0x80;
	[sflag:s19] =	ssyncadd.s32 @!p1 $0xFFFFC000  }
0x5b: {  	[spmem:s2] =	stream.indirect.scatter.add.f32 @!p1 [tilespmem:s20], [sflag:$0x1], $0x80, s17, s18, $0xb8;
	[tilespmem:$0x17900] =	vst v63  }
0x5c: {  	s14 =	sadd.s32 $0x200, s14;
	p2 =	sgt.u32 s16, $0x9C3;
	_ =	swait.ge @!p1 [sflag:s15], $0x4000  }
0x5d: {  	s13 =	simm.s32 @!p2 $0x0;
	[sflag:s15] =	ssyncset.done @!p1 $0x0  }
0x5e: {  	s16 =	simm.s32 @!p2 $0x13880;
	s17 =	simm.s32 @!p2 $0x2;
	[sflag:s15] =	ssyncadd.s32 @!p1 $0xFFFFC000  }
0x5f: {  	[tilespmem:s16], [sflag:$0x2] =	stream.linear.gather @!p2 [hbm4b:s14+s13], $0x80, $0x38;
	[tilespmem:$0x17900] =	vst v63  }
0x60: {  	p1 =	por p2, p2;
	_ =	swait.ge @!p2 [sflag:s17], $0x80  }
0x61: {  	[sflag:s17] =	ssyncset.done @!p1 $0x0  }
0x62: {  	s14 =	simm.s32 @!p1 $0x13900;
	[sflag:s17] =	ssyncadd.s32 @!p1 $0xFFFFFF80  }
0x63: {  	[tilespmem:s14], [sflag:$0x2] =	stream.linear.gather @!p1 [hbm4b:s12+s13], $0x4000, $0x38;
	[tilespmem:$0x17900] =	vst v63  }
0x64: {  	_ =	swait.ge @!p1 [sflag:s17], $0x4000  }
0x65: {  	[sflag:s17] =	ssyncset.done @!p1 $0x0  }
0x66: {  	s12 =	simm.s32 @!p1 $0x1;
	s13 =	simm.s32 @!p1 $0x80;
	[sflag:s17] =	ssyncadd.s32 @!p1 $0xFFFFC000  }
0x67: {  	[spmem:s2] =	stream.indirect.scatter.add.f32 @!p1 [tilespmem:s14], [sflag:$0x1], $0x80, s16, s13, $0xb8;
	[tilespmem:$0x17900] =	vst v63  }
0x68: {  	_ =	swait.ge @!p1 [sflag:s12], $0x4000  }
0x69: {  	[sflag:s12] =	ssyncset.done @!p1 $0x0  }
0x6a: {  	[sflag:s12] =	ssyncadd.s32 @!p1 $0xFFFFC000  }
0x6b: {  	s3 =	sadd.s32 $0x1, s3;
	s12 =	simm.s32 @!p0 $0x1C01;
	[bflag:$0x0] =	sbarrier.arrive $0xFFFF  }
0x6c: {  	[hbm:s5], [sflag:s12] =	dma.local @!p0 [spmem:s11], $0x27100  }
0x6d: {  	p1 =	sne.s32 s3, s6;
	s12 =	simm.s32 @!p0 $0x1  }
.Ltmp2:
0x6e: {  	_ =	swait.ge @!p0 [sflag:s12], $0x27100;
	(pc) =	sbr.rel @p1 .LBB2_1-.Ltmp2, $3  }
0x6f: {  	[sflag:s12] =	ssyncset.done @!p0 $0x0  }
0x70: {  	[sflag:s12] =	ssyncadd.s32 @!p0 $0xFFFD8F00  }
0x71: {  	[bflag:$0x0] =	sbarrier.arrive $0xFFFF;
	_ =	sdelay $0x1  }
0x72: {  	_ =	sfence.sel $0x180000  }
0x73: {  	[bflag:$0x0] =	sbarrier.arrive $0xFFFF  }
0x74: {  	_ =	strace $0x9000004A  }
0x75: {  	s0 =	sadd.s32 @!p0 $0x100000, s0;
	[bflag:$0x2] =	sbarrier.arrive $0xFFFF  }
0x76: {  	[sflag:s0] =	ssyncadd.tile.s32 @!p0 $0x1;
	_ =	shalt  }
.Lfunc_end2:
_tile_overlayer_lowered:
.L_overlay_start_2:
0x77: {  	(tag) =	ssettag $0x2  }
0x78: {  	s0 =	rddreg [dreg:$0x0];
	s2 =	stileid.u32  }
0x79: {  	s1 =	rddreg [dreg:$0x1];
	p0 =	sne.s32 s2, $0x0  }
0x7a: {  	s3 =	rddreg [dreg:$0x2];
	[bflag:$0x3] =	sbarrier.arrive $0xFFFF;
	s2 =	simm.s32 @!p0 $0x1C01  }
0x7b: {  	[timem:s3], [sflag:s2] =	dma.local @!p0 [hbm:s0], s1  }
0x7c: {  	s0 =	simm.s32 @!p0 $0x1  }
0x7d: {  	_ =	swait.ge @!p0 [sflag:s0], s1  }
0x7e: {  	s1 =	ssub.s32 @!p0 $0x0, s1;
	[sflag:s0] =	ssyncset.done @!p0 $0x0  }
0x7f: {  	[sflag:s0] =	ssyncadd.s32 @!p0 s1  }
0x80: {  	[bflag:$0x3] =	sbarrier.arrive $0xFFFF  }
0x81: {  	_ =	shalt  }

// kernel: kernel.7.cloned.1.call-start
scs
__scs_entry_jumppad:
0x0: {  	(pc) =	sbr.rel $0x88, $3  }
0x1: {  	(tag) =	ssettag $0x0;
	lr =	simm.s32 $0x1  }
0x2: {  	[smem:$0x3F9A] =	sst lr;
	_ =	strace $0xD0000000  }
0x3: {  	_ = 	snop  }
0x4: {  	_ = 	snop  }
0x5: {  	_ = 	snop  }
0x6: {  	_ = 	snop  }
0x7: {  	_ = 	snop  }
__scs_overlays_trampoline_lowered:
0x8: {  	[smem:$0x3FA9] =	sst s0  }
0x9: {  	[smem:$0x3FAA] =	sst s1  }
0xa: {  	[smem:$0x3FAB] =	sst s2  }
0xb: {  	[smem:$0x3FAC] =	sst s3  }
0xc: {  	[smem:$0x3FAD] =	sst s4  }
0xd: {  	[smem:$0x3FAE] =	sst s5  }
0xe: {  	[smem:$0x3FAF] =	sst s6  }
0xf: {  	[smem:$0x3FB0] =	sst s7  }
0x10: {  	[smem:$0x3FB1] =	sst s8  }
0x11: {  	[smem:$0x3FB2] =	sst s9;
	s0 =	simm.s32 @!p0 $0x0  }
0x12: {  	s1 =	sld [smem:$0x3F98];
	s0 =	simm.s32 @p0 $0x1  }
0x13: {  	[smem:$0x3FB3] =	sst s0;
	s0 =	simm.s32 @!p1 $0x0  }
0x14: {  	s2 =	sld [smem:$0x3F97];
	s0 =	simm.s32 @p1 $0x1  }
0x15: {  	[smem:$0x3FB4] =	sst s0;
	s0 =	simm.s32 @!p2 $0x0  }
0x16: {  	s3 =	sld [smem:$0x3FDB];
	s0 =	simm.s32 @p2 $0x1  }
0x17: {  	s4 =	simm.s32 $0x1BF5;
	[smem:$0x3FB6] =	sst s0  }
0x18: {  	s0 =	sld [smem:$0x3F99];
	_ =	swait.ge [sflag:s4], $0x0  }
0x19: {  	s7 =	sld [smem:$0x3F9A]  }
0x1a: {  	s8 =	sadd.s32 $0xFFFFE003, lr  }
0x1b: {  	s9 =	sadd.s32 $0xFFFFFEF7, lr;
	s5 =	simm.s32 $0xFFFFFFFF;
	p2 =	slt.u32 s8, $0xFFFFF086  }
0x1c: {  	p1 =	slt.u32 s9, $0xF7A;
	s5 =	simm.s32 @!p2 $0x0  }
0x1d: {  	s5 =	simm.s32 @p1 $0x1;
	p0 =	seq.s32 s7, s2  }
0x1e: {  	s7 =	smul.u32 @!p0 $0xF7A, s2;
	p2 =	seq.s32 @!p0 s5, $0x0  }
0x1f: {  	s9 =	smul.u32 $0xF7A, s1;
	s8 =	simm.s32 @!p0 $0x1BF5;
	p2 =	por !p2, p0  }
0x20: {  	[sflag:s8] =	ssyncset.s32 @!p0 $0xFFFFF086;
	s6 =	sadd.s32 @!p0 s3, s7;
	s7 =	simm.s32 @!p0 $0x108  }
0x21: {  	s3 =	sadd.s32 s3, s9;
	s6 =	sadd.s32 @!p0 $0x88, s6;
	s7 =	simm.s32 @p2 $0x1082  }
0x22: {  	[simem:s7], [sflag:s8] =	dma.local @!p0 [hbm:s6], $0xF7A  }
0x23: {  	s9 =	sor.u32 $0xD0000000, s2;
	s6 =	simm.s32 $0x108;
	_ =	swait.ge @!p0 [sflag:s8], $0x0  }
0x24: {  	s3 =	sadd.s32 $0x88, s3;
	s6 =	simm.s32 @!p1 $0x1082;
	[sflag:s4] =	ssyncset.s32 $0xFFFFF086  }
0x25: {  	[simem:s6], [sflag:s4] =	dma.local [hbm:s3], $0xF7A  }
0x26: {  	[smem:$0x3F9A] =	sst s1;
	(tag) =	ssettag s2;
	_ =	strace s9  }
0x27: {  	s1 =	sld [smem:$0x3FAA]  }
0x28: {  	s2 =	sld [smem:$0x3FAB]  }
0x29: {  	s4 =	sld [smem:$0x3FAD]  }
0x2a: {  	p0 =	seq.s32 s5, $0x0;
	s5 =	sld [smem:$0x3FAE]  }
0x2b: {  	s6 =	sld [smem:$0x3FAF]  }
0x2c: {  	s7 =	sld [smem:$0x3FB0]  }
0x2d: {  	s3 =	simm.s32 $0x108;
	s8 =	sld [smem:$0x3FB1]  }
0x2e: {  	s3 =	simm.s32 @!p0 $0x1082;
	s9 =	sld [smem:$0x3FB2]  }
0x2f: {  	lr =	sadd.s32 s0, s3;
	s0 =	sld [smem:$0x3FA9]  }
0x30: {  	s3 =	sld [smem:$0x3FAC]  }
0x31: {  	[smem:$0x3FB5] =	sst s10  }
0x32: {  	s10 =	sld [smem:$0x3FB3];
	_ =	sdelay $0x3  }
0x33: {  	p0 =	seq.s32 s10, $0x1;
	s10 =	sld [smem:$0x3FB5];
	_ =	sdelay $0x3  }
0x34: {  	[smem:$0x3FB5] =	sst s10  }
0x35: {  	s10 =	sld [smem:$0x3FB4];
	_ =	sdelay $0x3  }
0x36: {  	p1 =	seq.s32 s10, $0x1;
	s10 =	sld [smem:$0x3FB5];
	_ =	sdelay $0x3  }
0x37: {  	[smem:$0x3FB5] =	sst s10  }
0x38: {  	s10 =	sld [smem:$0x3FB6]  }
0x39: {  	_ = 	snop;
	(pc) =	sbr.ind lr, $3  }
0x3a: {  	_ = 	snop  }
0x3b: {  	_ = 	snop  }
0x3c: {  	p2 =	seq.s32 s10, $0x1;
	s10 =	sld [smem:$0x3FB5]  }
0x3d: {  	_ =	shalt  }
0x3e: {  	_ =	shalt  }
0x3f: {  	_ =	shalt  }
0x40: {  	_ =	shalt  }
0x41: {  	_ =	shalt  }
0x42: {  	_ =	shalt  }
0x43: {  	_ =	shalt  }
0x44: {  	_ =	shalt  }
0x45: {  	_ =	shalt  }
0x46: {  	_ =	shalt  }
0x47: {  	_ =	shalt  }
0x48: {  	_ =	shalt  }
0x49: {  	_ =	shalt  }
0x4a: {  	_ =	shalt  }
0x4b: {  	_ =	shalt  }
0x4c: {  	_ =	shalt  }
0x4d: {  	_ =	shalt  }
0x4e: {  	_ =	shalt  }
0x4f: {  	_ =	shalt  }
0x50: {  	_ =	shalt  }
0x51: {  	_ =	shalt  }
0x52: {  	_ =	shalt  }
0x53: {  	_ =	shalt  }
0x54: {  	_ =	shalt  }
0x55: {  	_ =	shalt  }
0x56: {  	_ =	shalt  }
0x57: {  	_ =	shalt  }
0x58: {  	_ =	shalt  }
0x59: {  	_ =	shalt  }
0x5a: {  	_ =	shalt  }
0x5b: {  	_ =	shalt  }
0x5c: {  	_ =	shalt  }
0x5d: {  	_ =	shalt  }
0x5e: {  	_ =	shalt  }
0x5f: {  	_ =	shalt  }
0x60: {  	_ =	shalt  }
0x61: {  	_ =	shalt  }
0x62: {  	_ =	shalt  }
0x63: {  	_ =	shalt  }
0x64: {  	_ =	shalt  }
0x65: {  	_ =	shalt  }
0x66: {  	_ =	shalt  }
0x67: {  	_ =	shalt  }
0x68: {  	_ =	shalt  }
0x69: {  	_ =	shalt  }
0x6a: {  	_ =	shalt  }
0x6b: {  	_ =	shalt  }
0x6c: {  	_ =	shalt  }
0x6d: {  	_ =	shalt  }
0x6e: {  	_ =	shalt  }
0x6f: {  	_ =	shalt  }
0x70: {  	_ =	shalt  }
0x71: {  	_ =	shalt  }
0x72: {  	_ =	shalt  }
0x73: {  	_ =	shalt  }
0x74: {  	_ =	shalt  }
0x75: {  	_ =	shalt  }
0x76: {  	_ =	shalt  }
0x77: {  	_ =	shalt  }
0x78: {  	_ =	shalt  }
0x79: {  	_ =	shalt  }
0x7a: {  	_ =	shalt  }
0x7b: {  	_ =	shalt  }
0x7c: {  	_ =	shalt  }
0x7d: {  	_ =	shalt  }
0x7e: {  	_ =	shalt  }
0x7f: {  	_ =	shalt  }
0x80: {  	_ =	shalt  }
0x81: {  	_ =	shalt  }
0x82: {  	_ =	shalt  }
0x83: {  	_ =	shalt  }
0x84: {  	_ =	shalt  }
0x85: {  	_ =	shalt  }
0x86: {  	_ =	shalt  }
0x87: {  	_ =	shalt  }
.Lfunc_end0:
.L_simem_size_0:
called_computation_lowered:
.L_overlay_start_0:
0x88: {  	s2 =	sld [smem:$0x3FD9]  }
0x89: {  	s3 =	sld [smem:$0x3FFE];
	_ =	sdelay $0x1  }
0x8a: {  	s1 =	srdreg.scid  }
0x8b: {  	s0 =	sand.u32 $0x1, s1  }
0x8c: {  	s17 =	sshll.u32 s0, $0xA;
	s2 =	sadd.s32 s3, s2  }
0x8d: {  	s2 =	sadd.s32 s2, s17  }
0x8e: {  	[smem:$0x3FC1] =	sst s2  }
0x8f: {  	_ = 	snop  }
0x90: {  	s2 =	sld [smem:$0x3FD0];
	(tm) =	ssettm $0x1  }
0x91: {  	s18 =	sld [smem:$0x3FFB];
	_ =	sdelay $0x3  }
0x92: {  	_ =	strace s18  }
0x93: {  	s3 =	sld [smem:$0x3FFC];
	_ =	sdelay $0x3  }
0x94: {  	_ =	strace s3  }
0x95: {  	s3 =	sld [smem:$0x3FFD];
	_ =	sdelay $0x3  }
0x96: {  	_ =	strace s3  }
0x97: {  	_ =	strace $0x8FFFFFFF  }
0x98: {  	s19 =	sld [smem:$0x3FDB];
	_ =	sdelay $0x1  }
0x99: {  	s4 =	simm.s32 $_scs_section_size  }
0x9a: {  	s5 =	simm.s32 $_size__tile_overlayer_lowered;
	s6 =	simm.s32 $_tile_overlayer_lowered  }
0x9b: {  	s22 =	simm.s32 $0x1BFF;
	s21 =	sshll.u32 s6, $0x1;
	s3 =	sadd.s32 s4, s19  }
0x9c: {  	s7 =	simm.s32 $0x0;
	s20 =	sshll.u32 s5, $0x1;
	s5 =	sadd.s32 s21, s3  }
0x9d: {  	[timem:s7], [sflag:s22] =	dma.local [hbm:s5], s20  }
0x9e: {  	_ =	swait.ge [sflag:s22], s20  }
0x9f: {  	s4 =	ssub.s32 $0x0, s20;
	[sflag:s22] =	ssyncset.done $0x0  }
0xa0: {  	[sflag:s22] =	ssyncadd.s32 s4;
	_ =	sdelay $0x1  }
0xa1: {  	s23 =	simm.s32 $0x1B8B  }
0xa2: {  	_ =	swait.ge [sflag:s23], $0x1  }
0xa3: {  	[sflag:s23] =	ssyncset.done $0x0  }
0xa4: {  	s25 =	simm.s32 $0x1B8E;
	s24 =	sld [smem:$0x3FFE];
	[sflag:s23] =	ssyncadd.s32 $0xFFFFFFFF  }
0xa5: {  	s26 =	simm.s32 $execute0_lowered;
	[smem:$0x3FD2] =	sst s25  }
0xa6: {  	s5 =	sshll.u32 s26, $0x1;
	_ =	strace $0x80000046;
	[dreg:$0x1] =	wrdreg $0xFFFFFFFF  }
0xa7: {  	s28 =	simm.s32 $_size_execute0_lowered;
	s3 =	sadd.s32 s3, s5;
	[dreg:$0x0] =	wrdreg $0x0  }
0xa8: {  	s5 =	sshll.u32 s28, $0x1;
	[dreg:$0x2] =	wrdreg s3  }
0xa9: {  	[dreg:$0x3] =	wrdreg s5  }
0xaa: {  	[dreg:$0x4] =	wrdreg $0xC0  }
0xab: {  	_ =	task [dreg:s7], $0x5FFFF  }
0xac: {  	[dreg:$0x1] =	wrdreg $0xFFFFFFFF  }
0xad: {  	[dreg:$0x0] =	wrdreg $0x60  }
0xae: {  	[dreg:$0x2] =	wrdreg s2  }
0xaf: {  	[dreg:$0x3] =	wrdreg s24  }
0xb0: {  	[dreg:$0x4] =	wrdreg $0x9  }
0xb1: {  	_ =	task.clear_ibuf [dreg:s7], $0x5FFFF;
	_ =	strace $0x90000046  }
0xb2: {  	s29 =	simm.s32 $0x9;
	_ =	strace $0x80000048  }
0xb3: {  	_ =	swait.ge [sflag:s29], $0x1  }
0xb4: {  	[sflag:s29] =	ssyncadd.s32 $0xFFFFFFFF  }
0xb5: {  	_ =	strace $0x90000048  }
0xb6: {  	_ =	sfence  }
0xb7: {  	s30 =	sld [smem:$0x0];
	_ =	sdelay $0x2  }
0xb8: {  	s31 =	sshll.u32 s1, $0xD;
	s1 =	sshrl.u32 s1, $0x2  }
0xb9: {  	s3 =	sand.u32 $0x4000, s31;
	s1 =	sadd.s32 s1, s30  }
0xba: {  	s0 =	sor.u32 s3, s0;
	s1 =	sshll.u32 s1, $0x11  }
0xbb: {  	s0 =	sor.u32 s1, s0  }
0xbc: {  	s0 =	sadd.s32 $0x8F2B, s0  }
0xbd: {  	[sflag:s0] =	ssyncadd.remote.s32 $0x1  }
0xbe: {  	_ =	sfence.sel $0xFFFF  }
0xbf: {  	[dreg:$0x0] =	wrdreg $0xFFFFFFFF;
	(pc) =	sbr.abs _section_cstart, $3  }
0xc0: {  	[dreg:$0x1] =	wrdreg $0xFFFFFFFF  }
0xc1: {  	_ =	task.clear_ibuf [dreg:s7], $0x2FFFF;
	_ =	strace $0x9FFFFFFF  }
0xc2: {  	(tm) =	ssettm $0x7FFFFFFF  }
0xc3: {  	_ =	shalt  }
tec
execute0_lowered:
.L_overlay_start_1:
0x0: {  	(tag) =	ssettag $0x1  }
0x1: {  	s1 =	rddreg [dreg:$0x0]  }
0x2: {  	s5 =	rddreg [dreg:$0x1]  }
0x3: {  	s0 =	rddreg [dreg:$0x2]  }
0x4: {  	s3 =	simm.s32 $0x0;
	s4 =	srdreg.scid;
	s2 =	stileid.u32  }
0x5: {  	[smem:$0x7FF] =	sst s3;
	s6 =	sand.u32 $0x1, s4;
	s4 =	sadd.s32 $0x15C00, s5  }
0x6: {  	s7 =	sshll.u32 s2, $0x5;
	s9 =	sshll.u32 s2, $0xC;
	_ =	strace $0x80000047  }
0x7: {  	s8 =	ssub.s32 $0x2, s6;
	s7 =	sadd.s32 s7, s5;
	s9 =	sadd.s32 s9, s5  }
0x8: {  	s31 =	sshll.u32 s6, $0x4;
	s11 =	sshll.u32 s6, $0xB;
	s10 =	sshrl.u32 s8, $0x1  }
0x9: {  	s5 =	sshll.u32 s2, $0x1;
	s11 =	sadd.s32 s11, s9;
	s8 =	ssub.s32 s8, s10  }
0xa: {  	s10 =	sadd.s32 s31, s7;
	s9 =	sadd.s32 $0x546000, s11;
	s6 =	smax.u32 s8, $0x1  }
0xb: {  	s7 =	sadd.s32 $0xBE00, s10;
	s8 =	sadd.s32 $0x2000, s10;
	s10 =	sadd.s32 $0x64000, s11  }
.LBB2_1:
0xc: {  	p0 =	sgt.u32 s5, $0x9C3  }
0xd: {  	s11 =	sadd.s32 @!p0 $0x0, s8;
	s12 =	simm.s32 @!p0 $0x0;
	s15 =	simm.s32 @!p0 $0x3  }
0xe: {  	[tilespmem:s12], [sflag:$0x3] =	stream.linear.gather @!p0 [hbm4b:s11+s12], $0x80, $0x38;
	[tilespmem:$0x8100] =	vst v63  }
0xf: {  	_ =	swait.ge @!p0 [sflag:s15], $0x80;
	p0 =	por p0, p0  }
0x10: {  	[sflag:s15] =	ssyncset.done @!p0 $0x0  }
0x11: {  	s11 =	sadd.s32 @!p0 $0x0, s7;
	s13 =	simm.s32 @!p0 $0x80;
	[sflag:s15] =	ssyncadd.s32 @!p0 $0xFFFFFF80  }
0x12: {  	[tilespmem:s13], [sflag:$0x3] =	stream.linear.gather @!p0 [hbm4b:s11+s12], $0x80, $0x38;
	[tilespmem:$0x8100] =	vst v63  }
0x13: {  	_ =	swait.ge @!p0 [sflag:s15], $0x80  }
0x14: {  	[sflag:s15] =	ssyncset.done @!p0 $0x0  }
0x15: {  	s11 =	simm.s32 @!p0 $0x100;
	[sflag:s15] =	ssyncadd.s32 @!p0 $0xFFFFFF80  }
0x16: {  	[tilespmem:s11], [sflag:$0x1] =	stream.indirect.gather @!p0 [hbm4b:s1+s13], $0x80, s12, s13, $0xb8;
	[tilespmem:$0x8100] =	vst v63  }
0x17: {  	s16 =	simm.s32 @!p0 $0x4100;
	s14 =	simm.s32 @!p0 $0x1  }
0x18: {  	[tilespmem:s16], [sflag:$0x1] =	stream.indirect.gather @!p0 [hbm4b:s4+s13], $0x80, s13, s13, $0xb8;
	[tilespmem:$0x8100] =	vst v63  }
0x19: {  	_ =	swait.ge @!p0 [sflag:s14], $0x4000  }
0x1a: {  	[sflag:s14] =	ssyncset.done @!p0 $0x0  }
0x1b: {  	[sflag:s14] =	ssyncadd.s32 @!p0 $0xFFFFC000  }
0x1c: {  	_ =	swait.ge @!p0 [sflag:s14], $0x4000  }
0x1d: {  	[sflag:s14] =	ssyncset.done @!p0 $0x0  }
0x1e: {  	[sflag:s14] =	ssyncadd.s32 @!p0 $0xFFFFC000  }
0x1f: {  	[hbm4b:s10+s12] =	stream.linear.scatter @!p0 [tilespmem:s11], [sflag:$0x3], $0x4000, $0x38;
	[tilespmem:$0x8100] =	vst v63  }
0x20: {  	_ =	swait.ge @!p0 [sflag:s15], $0x4000  }
0x21: {  	[sflag:s15] =	ssyncset.done @!p0 $0x0  }
0x22: {  	s13 =	simm.s32 $0x200;
	s14 =	simm.s32 $0x400;
	[sflag:s15] =	ssyncadd.s32 @!p0 $0xFFFFC000  }
0x23: {  	[hbm4b:s9+s12] =	stream.linear.scatter @!p0 [tilespmem:s16], [sflag:$0x2], $0x4000, $0x38;
	[tilespmem:$0x8100] =	vst v63  }
0x24: {  	s11 =	sadd.s32 $0x10000, s10;
	s15 =	sadd.s32 $0x20, s5;
	s16 =	simm.s32 @!p0 $0x2  }
0x25: {  	p2 =	sgt.u32 s15, $0x9C3;
	s12 =	sadd.s32 $0x10000, s9;
	_ =	swait.ge @!p0 [sflag:s16], $0x4000  }
.LBB2_2:
0x26: {  	s17 =	sadd.s32 @!p2 s13, s8  }
0x27: {  	s18 =	simm.s32 @!p2 $0x0;
	[sflag:s16] =	ssyncset.done @!p0 $0x0;
	s19 =	smov.u32 s14  }
0x28: {  	s14 =	sadd.s32 $0x200, s14;
	s20 =	simm.s32 @!p2 $0x3;
	[sflag:s16] =	ssyncadd.s32 @!p0 $0xFFFFC000  }
0x29: {  	[tilespmem:s18], [sflag:$0x3] =	stream.linear.gather @!p2 [hbm4b:s17+s18], $0x80, $0x38;
	[tilespmem:$0x8100] =	vst v63  }
0x2a: {  	p1 =	sne.s32 s14, $0x9E00;
	p0 =	por p2, p2;
	_ =	swait.ge @!p2 [sflag:s20], $0x80  }
0x2b: {  	[sflag:s20] =	ssyncset.done @!p0 $0x0  }
0x2c: {  	s13 =	sadd.s32 @!p0 s13, s7;
	s16 =	simm.s32 @!p0 $0x80;
	[sflag:s20] =	ssyncadd.s32 @!p0 $0xFFFFFF80  }
0x2d: {  	[tilespmem:s16], [sflag:$0x3] =	stream.linear.gather @!p0 [hbm4b:s13+s18], $0x80, $0x38;
	[tilespmem:$0x8100] =	vst v63  }
0x2e: {  	s13 =	smov.u32 s19;
	_ =	swait.ge @!p0 [sflag:s20], $0x80  }
0x2f: {  	[sflag:s20] =	ssyncset.done @!p0 $0x0  }
0x30: {  	s17 =	simm.s32 @!p0 $0x100;
	[sflag:s20] =	ssyncadd.s32 @!p0 $0xFFFFFF80  }
0x31: {  	[tilespmem:s17], [sflag:$0x1] =	stream.indirect.gather @!p0 [hbm4b:s1+s16], $0x80, s18, s16, $0xb8;
	[tilespmem:$0x8100] =	vst v63  }
0x32: {  	s21 =	simm.s32 @!p0 $0x1;
	s19 =	simm.s32 @!p0 $0x4100  }
0x33: {  	[tilespmem:s19], [sflag:$0x1] =	stream.indirect.gather @!p0 [hbm4b:s4+s16], $0x80, s16, s16, $0xb8;
	[tilespmem:$0x8100] =	vst v63  }
0x34: {  	_ =	swait.ge @!p0 [sflag:s21], $0x4000  }
0x35: {  	[sflag:s21] =	ssyncset.done @!p0 $0x0  }
0x36: {  	[sflag:s21] =	ssyncadd.s32 @!p0 $0xFFFFC000  }
0x37: {  	_ =	swait.ge @!p0 [sflag:s21], $0x4000  }
0x38: {  	[sflag:s21] =	ssyncset.done @!p0 $0x0  }
0x39: {  	[sflag:s21] =	ssyncadd.s32 @!p0 $0xFFFFC000  }
0x3a: {  	[hbm4b:s11+s18] =	stream.linear.scatter @!p0 [tilespmem:s17], [sflag:$0x3], $0x4000, $0x38;
	[tilespmem:$0x8100] =	vst v63  }
.Ltmp0:
0x3b: {  	_ =	swait.ge @!p0 [sflag:s20], $0x4000;
	(pc) =	sbr.rel @p1 .LBB2_2-.Ltmp0, $4  }
0x3c: {  	s11 =	sadd.s32 $0x10000, s11;
	[sflag:s20] =	ssyncset.done @!p0 $0x0  }
0x3d: {  	s15 =	sadd.s32 $0x20, s15;
	s16 =	simm.s32 @!p0 $0x2;
	[sflag:s20] =	ssyncadd.s32 @!p0 $0xFFFFC000  }
0x3e: {  	[hbm4b:s12+s18] =	stream.linear.scatter @!p0 [tilespmem:s19], [sflag:$0x2], $0x4000, $0x38;
	[tilespmem:$0x8100] =	vst v63  }
0x3f: {  	p2 =	sgt.u32 s15, $0x9C3;
	s12 =	sadd.s32 $0x10000, s12;
	_ =	swait.ge @!p0 [sflag:s16], $0x4000  }
0x40: {  	s14 =	sadd.s32 @!p2 s13, s8;
	[sflag:s16] =	ssyncset.done @!p0 $0x0  }
0x41: {  	s15 =	simm.s32 @!p2 $0x0;
	s17 =	simm.s32 @!p2 $0x3;
	[sflag:s16] =	ssyncadd.s32 @!p0 $0xFFFFC000  }
0x42: {  	[tilespmem:s15], [sflag:$0x3] =	stream.linear.gather @!p2 [hbm4b:s14+s15], $0x80, $0x38;
	[tilespmem:$0x8100] =	vst v63  }
0x43: {  	p0 =	por p2, p2;
	_ =	swait.ge @!p2 [sflag:s17], $0x80  }
0x44: {  	[sflag:s17] =	ssyncset.done @!p0 $0x0  }
0x45: {  	s13 =	sadd.s32 @!p0 s13, s7;
	s14 =	simm.s32 @!p0 $0x80;
	[sflag:s17] =	ssyncadd.s32 @!p0 $0xFFFFFF80  }
0x46: {  	[tilespmem:s14], [sflag:$0x3] =	stream.linear.gather @!p0 [hbm4b:s13+s15], $0x80, $0x38;
	[tilespmem:$0x8100] =	vst v63  }
0x47: {  	_ =	swait.ge @!p0 [sflag:s17], $0x80  }
0x48: {  	[sflag:s17] =	ssyncset.done @!p0 $0x0  }
0x49: {  	s13 =	simm.s32 @!p0 $0x100;
	[sflag:s17] =	ssyncadd.s32 @!p0 $0xFFFFFF80  }
0x4a: {  	[tilespmem:s13], [sflag:$0x1] =	stream.indirect.gather @!p0 [hbm4b:s1+s14], $0x80, s15, s14, $0xb8;
	[tilespmem:$0x8100] =	vst v63  }
0x4b: {  	s16 =	simm.s32 @!p0 $0x4100;
	s18 =	simm.s32 @!p0 $0x1  }
0x4c: {  	[tilespmem:s16], [sflag:$0x1] =	stream.indirect.gather @!p0 [hbm4b:s4+s14], $0x80, s14, s14, $0xb8;
	[tilespmem:$0x8100] =	vst v63  }
0x4d: {  	_ =	swait.ge @!p0 [sflag:s18], $0x4000  }
0x4e: {  	[sflag:s18] =	ssyncset.done @!p0 $0x0  }
0x4f: {  	[sflag:s18] =	ssyncadd.s32 @!p0 $0xFFFFC000  }
0x50: {  	_ =	swait.ge @!p0 [sflag:s18], $0x4000  }
0x51: {  	[sflag:s18] =	ssyncset.done @!p0 $0x0  }
0x52: {  	[sflag:s18] =	ssyncadd.s32 @!p0 $0xFFFFC000  }
0x53: {  	[hbm4b:s11+s15] =	stream.linear.scatter @!p0 [tilespmem:s13], [sflag:$0x3], $0x4000, $0x38;
	[tilespmem:$0x8100] =	vst v63  }
0x54: {  	s3 =	sadd.s32 $0x1, s3;
	_ =	swait.ge @!p0 [sflag:s17], $0x4000  }
0x55: {  	p1 =	sne.s32 s3, s6;
	[sflag:s17] =	ssyncset.done @!p0 $0x0  }
.Ltmp1:
0x56: {  	s11 =	simm.s32 @!p0 $0x2;
	[sflag:s17] =	ssyncadd.s32 @!p0 $0xFFFFC000;
	(pc) =	sbr.rel @p1 .LBB2_1-.Ltmp1, $4  }
0x57: {  	[hbm4b:s12+s15] =	stream.linear.scatter @!p0 [tilespmem:s16], [sflag:$0x2], $0x4000, $0x38;
	[tilespmem:$0x8100] =	vst v63  }
0x58: {  	_ =	swait.ge @!p0 [sflag:s11], $0x4000  }
0x59: {  	[sflag:s11] =	ssyncset.done @!p0 $0x0  }
0x5a: {  	[sflag:s11] =	ssyncadd.s32 @!p0 $0xFFFFC000  }
0x5b: {  	_ =	sfence.sel $0x180000  }
0x5c: {  	[bflag:$0x0] =	sbarrier.arrive $0xFFFF  }
0x5d: {  	p0 =	sne.s32 s2, $0x0;
	_ =	strace $0x90000047  }
0x5e: {  	s0 =	sadd.s32 @!p0 $0x100000, s0;
	[bflag:$0x2] =	sbarrier.arrive $0xFFFF  }
0x5f: {  	[sflag:s0] =	ssyncadd.tile.s32 @!p0 $0x1;
	_ =	shalt  }
.Lfunc_end2:
_tile_overlayer_lowered:
.L_overlay_start_2:
0x60: {  	(tag) =	ssettag $0x2  }
0x61: {  	s0 =	rddreg [dreg:$0x0];
	s2 =	stileid.u32  }
0x62: {  	s1 =	rddreg [dreg:$0x1];
	p0 =	sne.s32 s2, $0x0  }
0x63: {  	s3 =	rddreg [dreg:$0x2];
	[bflag:$0x3] =	sbarrier.arrive $0xFFFF;
	s2 =	simm.s32 @!p0 $0x1C02  }
0x64: {  	[timem:s3], [sflag:s2] =	dma.local @!p0 [hbm:s0], s1  }
0x65: {  	s0 =	simm.s32 @!p0 $0x2  }
0x66: {  	_ =	swait.ge @!p0 [sflag:s0], s1  }
0x67: {  	s1 =	ssub.s32 @!p0 $0x0, s1;
	[sflag:s0] =	ssyncset.done @!p0 $0x0  }
0x68: {  	[sflag:s0] =	ssyncadd.s32 @!p0 s1  }
0x69: {  	[bflag:$0x3] =	sbarrier.arrive $0xFFFF  }
0x6a: {  	_ =	shalt  }

</sc_bundles>
